<compile_context>
chip_gen: v7x
topology: tpu7x:2x2x1
jax: 0.10.2.dev20260603
libtpu: 0.0.44.dev20260713+nightly
codegen_flags: <defaults>
</compile_context>

<pallas_src>
import functools

import jax
import jax.numpy as jnp
from jax import lax
from jax.experimental import pallas as pl
from jax.experimental.pallas import tpu as pltpu
from jax.experimental.pallas import tpu_sc as plsc

NUM_ACTIVATIONS = 65536
D_MODEL = 1024
K = 512

NC = 2
NS = 16
L = 16
DH = D_MODEL // NC
KPS = K // NS
CHUNKS = DH // L
UNROLL = 2

_DN = lax.GatherDimensionNumbers(
    offset_dims=(), collapsed_slice_dims=(0,), start_index_map=(0,))


def _splat(w_reg, i):
  lane = jnp.full((L, 1), i, dtype=jnp.int32)
  return lax.gather(w_reg, lane, _DN, (1,),
                    mode=lax.GatherScatterMode.PROMISE_IN_BOUNDS)


def _tree_sum(terms):
  while len(terms) > 1:
    nxt = [a + b for a, b in zip(terms[::2], terms[1::2])]
    if len(terms) % 2:
      nxt.append(terms[-1])
    terms = nxt
  return terms[0]


def _sc_func_vec(top_indices, weight, W_dec, b_dec, zero):
  mesh = plsc.VectorSubcoreMesh(core_axis_name="c", subcore_axis_name="s")

  @functools.partial(
      pl.kernel,
      out_type=jax.ShapeDtypeStruct((1, D_MODEL), jnp.float32),
      mesh=mesh,
      scratch_types=[
          pltpu.VMEM((KPS,), jnp.int32),
          pltpu.VMEM((KPS,), jnp.float32),
          pltpu.VMEM((KPS, DH), jnp.float32),
          pltpu.VMEM((1, DH), jnp.float32),
          pltpu.VMEM((1,), jnp.int32),
          pltpu.VMEM_SHARED((1, DH), jnp.float32),
          pltpu.SemaphoreType.DMA,
          pltpu.SemaphoreType.DMA,
          pltpu.SemaphoreType.DMA,
          pltpu.SemaphoreType.DMA,
      ],
  )
  def body(idx_hbm, w_hbm, wdec_hbm, bdec_hbm, zero_hbm, out_hbm, idx_v, wv,
           rows_v, acc_v, zero_v, shared_acc, sem_w, sem_z, sem_r, sem_b):
    cid = lax.axis_index("c")
    sid = lax.axis_index("s")
    dbase = cid * DH

    @pl.when(sid == 0)
    def _():
      pltpu.async_copy(bdec_hbm.at[pl.ds(0, 1), pl.ds(dbase, DH)],
                       shared_acc, sem_b).wait()

    pltpu.sync_copy(idx_hbm.at[pl.ds(sid * KPS, KPS)], idx_v)
    cp_w = pltpu.async_copy(w_hbm.at[idx_v], wv, sem_w)
    cp_r = pltpu.async_copy(wdec_hbm.at[idx_v, pl.ds(dbase, DH)], rows_v,
                            sem_r)
    cp_z = pltpu.async_copy(zero_hbm, zero_v, sem_z)

    cp_w.wait()
    bws = []
    for h in range(KPS // L):
      w_reg = jnp.maximum(wv[pl.ds(h * L, L)], 0.0)
      bws.extend(_splat(w_reg, i) for i in range(L))

    cp_r.wait()

    def chunk_body(c, carry):
      for u in range(UNROLL):
        sl = pl.ds((c * UNROLL + u) * L, L)
        acc_v[0, sl] = _tree_sum(
            [bws[i] * rows_v[i, sl] for i in range(KPS)])
      return carry

    lax.fori_loop(0, CHUNKS // UNROLL, chunk_body, 0)

    plsc.subcore_barrier()
    cp_z.wait()
    pltpu.sync_copy(acc_v, shared_acc.at[zero_v], add=True)
    plsc.subcore_barrier()

    @pl.when(sid == 0)
    def _():
      pltpu.sync_copy(shared_acc, acc_v)
      pltpu.sync_copy(acc_v, out_hbm.at[pl.ds(0, 1), pl.ds(dbase, DH)])

  return body(top_indices, weight, W_dec, b_dec, zero)


def kernel(top_indices, weight, W_dec, b_dec):
  idx = top_indices.astype(jnp.int32)
  zero = jnp.zeros((1,), jnp.int32)
  return _sc_func_vec(idx, weight, W_dec, b_dec.reshape(1, D_MODEL), zero)

# --- scband reference (transcript-rebuilt; emitter-appended) ---
"""Pipeline reference for scband-function-extractor-68410239090704 (READ-ONLY COPY).

The authoritative reference and input builder live on the scoring server;
editing this copy changes nothing except your own understanding.
"""

import jax, jax.numpy as jnp
import numpy as np

NUM_ACTIVATIONS = 65536
D_MODEL = 1024
K = 512

def setup_inputs(seed: int = 0) -> dict:
    key = jax.random.key(seed)
    k1, k2, k3 = jax.random.split(key, 3)
    top_indices = jax.random.randint(k1, (K,), 0, NUM_ACTIVATIONS)
    # learned parameter of FunctionExtractor: uniform(1e-5, 2e-5)
    weight = jax.random.uniform(k2, (NUM_ACTIVATIONS,), minval=1e-05, maxval=2e-05, dtype=jnp.float32)
    # SAE decoder params (sae.decode(top_acts, top_indices) = top_acts @ W_dec[top_indices] + b_dec)
    W_dec = jax.random.normal(k3, (NUM_ACTIVATIONS, D_MODEL), dtype=jnp.float32) * 0.02
    b_dec = jnp.zeros((D_MODEL,), dtype=jnp.float32)
    return {"top_indices": top_indices, "weight": weight, "W_dec": W_dec, "b_dec": b_dec}

def reference(top_indices, weight, W_dec, b_dec):
    # top_acts = relu(weight.index_select(0, top_indices))
    top_acts = jnp.maximum(jnp.take(weight, top_indices, axis=0), 0.0)
    # top_acts.unsqueeze(0) -> [1, K]
    top_acts = top_acts[None, :]
    # sae.decode(top_acts, top_indices.expand(B, -1)):
    # gather decoder rows for active latents, weighted sum + bias
    rows = jnp.take(W_dec, top_indices, axis=0)  # [K, D]
    func_vec = top_acts @ rows + b_dec           # [1, D]
    return func_vec

if __name__ == "__main__":
    import jax
    _d = setup_inputs()
    print(jax.jit(kernel)(*tuple(_d.values())))

</pallas_src>

<mosaic_0001>
#map = affine_map<(d0, d1) -> (0)>
#map1 = affine_map<(d0, d1) -> (0, 0)>
module attributes {stable_mosaic.version = 14 : i64} {
  func.func @body(%arg0: i32, %arg1: i32, %arg2: memref<512xi32, #tpu.memory_space<hbm>>, %arg3: memref<65536xf32, #tpu.memory_space<hbm>>, %arg4: memref<65536x1024xf32, #tpu.memory_space<hbm>>, %arg5: memref<1x1024xf32, #tpu.memory_space<hbm>>, %arg6: memref<1xi32, #tpu.memory_space<hbm>>, %arg7: memref<1x1024xf32, #tpu.memory_space<hbm>>, %arg8: memref<32xi32, #tpu.memory_space<vmem>>, %arg9: memref<32xf32, #tpu.memory_space<vmem>>, %arg10: memref<32x512xf32, #tpu.memory_space<vmem>>, %arg11: memref<1x512xf32, #tpu.memory_space<vmem>>, %arg12: memref<1xi32, #tpu.memory_space<vmem>>, %arg13: memref<1x512xf32, #tpu.memory_space<vmem_shared>>, %arg14: memref<!tpu.dma_semaphore, #tpu.memory_space<semaphore_mem>>, %arg15: memref<!tpu.dma_semaphore, #tpu.memory_space<semaphore_mem>>, %arg16: memref<!tpu.dma_semaphore, #tpu.memory_space<semaphore_mem>>, %arg17: memref<!tpu.dma_semaphore, #tpu.memory_space<semaphore_mem>>) attributes {dimension_semantics = [#tpu.dimension_semantics<core_parallel>, #tpu.dimension_semantics<subcore_parallel>], iteration_bounds = array<i64: 2, 16>, scalar_prefetch = 0 : i64, scratch_operands = 10 : i64, tpu.core_type = #tpu.core_type<sc_vector_subcore>, window_params = [{transform_indices = #map}, {transform_indices = #map}, {transform_indices = #map1}, {transform_indices = #map1}, {transform_indices = #map}, {transform_indices = #map1}]} {
    %mul3A = arith.constant 512 : i32
    %mul3A_0 = arith.muli %arg0, %mul3A : i32
    %eq3A = arith.constant 0 : i32
    %eq3A_1 = arith.cmpi eq, %arg1, %eq3A : i32
    %convert_element_type3A = arith.extui %eq3A_1 : i1 to i32
    %cond3A = arith.constant 0 : i32
    %cond3A_2 = arith.cmpi ne, %convert_element_type3A, %cond3A : i32
    scf.if %cond3A_2 {
      %dma_start3A_158 = arith.constant 0 : i32
      %dma_start3A_159 = tpu.memref_slice %arg5[%dma_start3A_158, %mul3A_0] : memref<1x1024xf32, #tpu.memory_space<hbm>> -> memref<1x512xf32, #tpu.memory_space<hbm>>
      tpu.enqueue_dma source(%dma_start3A_159 : memref<1x512xf32, #tpu.memory_space<hbm>>) target(%arg13 : memref<1x512xf32, #tpu.memory_space<vmem_shared>>) target_semaphore(%arg17 : memref<!tpu.dma_semaphore, #tpu.memory_space<semaphore_mem>>)
      %dma_wait3A_160 = arith.constant 0 : i32
      %dma_wait3A_161 = tpu.memref_slice %arg5[%dma_wait3A_160, %mul3A_0] : memref<1x1024xf32, #tpu.memory_space<hbm>> -> memref<1x512xf32, #tpu.memory_space<hbm>>
      tpu.wait_dma2 semaphore(%arg17 : memref<!tpu.dma_semaphore, #tpu.memory_space<semaphore_mem>>) src(%dma_wait3A_161 : memref<1x512xf32, #tpu.memory_space<hbm>>) dst(%arg13 : memref<1x512xf32, #tpu.memory_space<vmem_shared>>)
    } else {
    }
    %mul3A_3 = arith.constant 32 : i32
    %mul3A_4 = arith.muli %arg1, %mul3A_3 : i32
    "tpu.region"() ({
      %run_scoped3A = tpu.sem_alloc : memref<!tpu.dma_semaphore, #tpu.memory_space<semaphore_mem>>
      %dma_start3A_158 = tpu.memref_slice %arg2[%mul3A_4] : memref<512xi32, #tpu.memory_space<hbm>> -> memref<32xi32, #tpu.memory_space<hbm>>
      %dma_start3A_159 = tpu.memref_slice %arg2[%mul3A_4] : memref<512xi32, #tpu.memory_space<hbm>> -> memref<32xi32, #tpu.memory_space<hbm>>
      tpu.enqueue_dma source(%dma_start3A_159 : memref<32xi32, #tpu.memory_space<hbm>>) target(%arg8 : memref<32xi32, #tpu.memory_space<vmem>>) target_semaphore(%run_scoped3A : memref<!tpu.dma_semaphore, #tpu.memory_space<semaphore_mem>>)
      %dma_wait3A_160 = tpu.memref_slice %arg2[%mul3A_4] : memref<512xi32, #tpu.memory_space<hbm>> -> memref<32xi32, #tpu.memory_space<hbm>>
      %dma_wait3A_161 = tpu.memref_slice %arg2[%mul3A_4] : memref<512xi32, #tpu.memory_space<hbm>> -> memref<32xi32, #tpu.memory_space<hbm>>
      tpu.wait_dma2 semaphore(%run_scoped3A : memref<!tpu.dma_semaphore, #tpu.memory_space<semaphore_mem>>) src(%dma_wait3A_161 : memref<32xi32, #tpu.memory_space<hbm>>) dst(%arg8 : memref<32xi32, #tpu.memory_space<vmem>>)
      tpu.yield
    }) : () -> ()
    %dma_start3A = arith.constant 0 : i32
    %dma_start3A_5 = tpu.memref_slice %arg3[%dma_start3A] : memref<65536xf32, #tpu.memory_space<hbm>> -> memref<65536xf32, #tpu.memory_space<hbm>>
    tpu.enqueue_indirect_dma source(%dma_start3A_5 : memref<65536xf32, #tpu.memory_space<hbm>>) target(%arg9 : memref<32xf32, #tpu.memory_space<vmem>>) offsets(%arg8 : memref<32xi32, #tpu.memory_space<vmem>>) semaphore(%arg14 : memref<!tpu.dma_semaphore, #tpu.memory_space<semaphore_mem>>)
    %dma_start3A_6 = arith.constant 0 : i32
    %dma_start3A_7 = tpu.memref_slice %arg4[%dma_start3A_6, %mul3A_0] : memref<65536x1024xf32, #tpu.memory_space<hbm>> -> memref<65536x512xf32, #tpu.memory_space<hbm>>
    tpu.enqueue_indirect_dma source(%dma_start3A_7 : memref<65536x512xf32, #tpu.memory_space<hbm>>) target(%arg10 : memref<32x512xf32, #tpu.memory_space<vmem>>) offsets(%arg8 : memref<32xi32, #tpu.memory_space<vmem>>) semaphore(%arg16 : memref<!tpu.dma_semaphore, #tpu.memory_space<semaphore_mem>>)
    tpu.enqueue_dma source(%arg6 : memref<1xi32, #tpu.memory_space<hbm>>) target(%arg12 : memref<1xi32, #tpu.memory_space<vmem>>) target_semaphore(%arg15 : memref<!tpu.dma_semaphore, #tpu.memory_space<semaphore_mem>>)
    %dma_wait3A = arith.constant 0 : i32
    %dma_wait3A_8 = tpu.memref_slice %arg3[%dma_wait3A] : memref<65536xf32, #tpu.memory_space<hbm>> -> memref<65536xf32, #tpu.memory_space<hbm>>
    tpu.wait_indirect_dma semaphore(%arg14 : memref<!tpu.dma_semaphore, #tpu.memory_space<semaphore_mem>>) src(%dma_wait3A_8 : memref<65536xf32, #tpu.memory_space<hbm>>) dst(%arg9 : memref<32xf32, #tpu.memory_space<vmem>>)
    %get3A = arith.constant 0 : index
    %get3A_9 = tpu.vector_load %arg9[%get3A] {strides = array<i32>} : memref<32xf32, #tpu.memory_space<vmem>>, vector<16xf32>,
    %get3A_10 = vector.shape_cast %get3A_9 : vector<16xf32> to vector<16xf32>
    %max3A = arith.constant 0.000000e+00 : f32
    %max3A_11 = vector.broadcast %max3A : f32 to vector<16xf32>
    %max3A_12 = arith.maximumf %get3A_10, %max3A_11 : vector<16xf32>
    %broadcast_in_dim3A = arith.constant 0 : i32
    %broadcast_in_dim3A_13 = vector.broadcast %broadcast_in_dim3A : i32 to vector<16x1xi32>
    %gather3A = vector.shape_cast %broadcast_in_dim3A_13 : vector<16x1xi32> to vector<16xi32>
    %gather3A_14 = tpu.dynamic_gather %max3A_12[%gather3A] in [0] : vector<16xf32>, vector<16xi32> -> vector<16xf32>
    %broadcast_in_dim3A_15 = arith.constant 1 : i32
    %broadcast_in_dim3A_16 = vector.broadcast %broadcast_in_dim3A_15 : i32 to vector<16x1xi32>
    %gather3A_17 = vector.shape_cast %broadcast_in_dim3A_16 : vector<16x1xi32> to vector<16xi32>
    %gather3A_18 = tpu.dynamic_gather %max3A_12[%gather3A_17] in [0] : vector<16xf32>, vector<16xi32> -> vector<16xf32>
    %broadcast_in_dim3A_19 = arith.constant 2 : i32
    %broadcast_in_dim3A_20 = vector.broadcast %broadcast_in_dim3A_19 : i32 to vector<16x1xi32>
    %gather3A_21 = vector.shape_cast %broadcast_in_dim3A_20 : vector<16x1xi32> to vector<16xi32>
    %gather3A_22 = tpu.dynamic_gather %max3A_12[%gather3A_21] in [0] : vector<16xf32>, vector<16xi32> -> vector<16xf32>
    %broadcast_in_dim3A_23 = arith.constant 3 : i32
    %broadcast_in_dim3A_24 = vector.broadcast %broadcast_in_dim3A_23 : i32 to vector<16x1xi32>
    %gather3A_25 = vector.shape_cast %broadcast_in_dim3A_24 : vector<16x1xi32> to vector<16xi32>
    %gather3A_26 = tpu.dynamic_gather %max3A_12[%gather3A_25] in [0] : vector<16xf32>, vector<16xi32> -> vector<16xf32>
    %broadcast_in_dim3A_27 = arith.constant 4 : i32
    %broadcast_in_dim3A_28 = vector.broadcast %broadcast_in_dim3A_27 : i32 to vector<16x1xi32>
    %gather3A_29 = vector.shape_cast %broadcast_in_dim3A_28 : vector<16x1xi32> to vector<16xi32>
    %gather3A_30 = tpu.dynamic_gather %max3A_12[%gather3A_29] in [0] : vector<16xf32>, vector<16xi32> -> vector<16xf32>
    %broadcast_in_dim3A_31 = arith.constant 5 : i32
    %broadcast_in_dim3A_32 = vector.broadcast %broadcast_in_dim3A_31 : i32 to vector<16x1xi32>
    %gather3A_33 = vector.shape_cast %broadcast_in_dim3A_32 : vector<16x1xi32> to vector<16xi32>
    %gather3A_34 = tpu.dynamic_gather %max3A_12[%gather3A_33] in [0] : vector<16xf32>, vector<16xi32> -> vector<16xf32>
    %broadcast_in_dim3A_35 = arith.constant 6 : i32
    %broadcast_in_dim3A_36 = vector.broadcast %broadcast_in_dim3A_35 : i32 to vector<16x1xi32>
    %gather3A_37 = vector.shape_cast %broadcast_in_dim3A_36 : vector<16x1xi32> to vector<16xi32>
    %gather3A_38 = tpu.dynamic_gather %max3A_12[%gather3A_37] in [0] : vector<16xf32>, vector<16xi32> -> vector<16xf32>
    %broadcast_in_dim3A_39 = arith.constant 7 : i32
    %broadcast_in_dim3A_40 = vector.broadcast %broadcast_in_dim3A_39 : i32 to vector<16x1xi32>
    %gather3A_41 = vector.shape_cast %broadcast_in_dim3A_40 : vector<16x1xi32> to vector<16xi32>
    %gather3A_42 = tpu.dynamic_gather %max3A_12[%gather3A_41] in [0] : vector<16xf32>, vector<16xi32> -> vector<16xf32>
    %broadcast_in_dim3A_43 = arith.constant 8 : i32
    %broadcast_in_dim3A_44 = vector.broadcast %broadcast_in_dim3A_43 : i32 to vector<16x1xi32>
    %gather3A_45 = vector.shape_cast %broadcast_in_dim3A_44 : vector<16x1xi32> to vector<16xi32>
    %gather3A_46 = tpu.dynamic_gather %max3A_12[%gather3A_45] in [0] : vector<16xf32>, vector<16xi32> -> vector<16xf32>
    %broadcast_in_dim3A_47 = arith.constant 9 : i32
    %broadcast_in_dim3A_48 = vector.broadcast %broadcast_in_dim3A_47 : i32 to vector<16x1xi32>
    %gather3A_49 = vector.shape_cast %broadcast_in_dim3A_48 : vector<16x1xi32> to vector<16xi32>
    %gather3A_50 = tpu.dynamic_gather %max3A_12[%gather3A_49] in [0] : vector<16xf32>, vector<16xi32> -> vector<16xf32>
    %broadcast_in_dim3A_51 = arith.constant 10 : i32
    %broadcast_in_dim3A_52 = vector.broadcast %broadcast_in_dim3A_51 : i32 to vector<16x1xi32>
    %gather3A_53 = vector.shape_cast %broadcast_in_dim3A_52 : vector<16x1xi32> to vector<16xi32>
    %gather3A_54 = tpu.dynamic_gather %max3A_12[%gather3A_53] in [0] : vector<16xf32>, vector<16xi32> -> vector<16xf32>
    %broadcast_in_dim3A_55 = arith.constant 11 : i32
    %broadcast_in_dim3A_56 = vector.broadcast %broadcast_in_dim3A_55 : i32 to vector<16x1xi32>
    %gather3A_57 = vector.shape_cast %broadcast_in_dim3A_56 : vector<16x1xi32> to vector<16xi32>
    %gather3A_58 = tpu.dynamic_gather %max3A_12[%gather3A_57] in [0] : vector<16xf32>, vector<16xi32> -> vector<16xf32>
    %broadcast_in_dim3A_59 = arith.constant 12 : i32
    %broadcast_in_dim3A_60 = vector.broadcast %broadcast_in_dim3A_59 : i32 to vector<16x1xi32>
    %gather3A_61 = vector.shape_cast %broadcast_in_dim3A_60 : vector<16x1xi32> to vector<16xi32>
    %gather3A_62 = tpu.dynamic_gather %max3A_12[%gather3A_61] in [0] : vector<16xf32>, vector<16xi32> -> vector<16xf32>
    %broadcast_in_dim3A_63 = arith.constant 13 : i32
    %broadcast_in_dim3A_64 = vector.broadcast %broadcast_in_dim3A_63 : i32 to vector<16x1xi32>
    %gather3A_65 = vector.shape_cast %broadcast_in_dim3A_64 : vector<16x1xi32> to vector<16xi32>
    %gather3A_66 = tpu.dynamic_gather %max3A_12[%gather3A_65] in [0] : vector<16xf32>, vector<16xi32> -> vector<16xf32>
    %broadcast_in_dim3A_67 = arith.constant 14 : i32
    %broadcast_in_dim3A_68 = vector.broadcast %broadcast_in_dim3A_67 : i32 to vector<16x1xi32>
    %gather3A_69 = vector.shape_cast %broadcast_in_dim3A_68 : vector<16x1xi32> to vector<16xi32>
    %gather3A_70 = tpu.dynamic_gather %max3A_12[%gather3A_69] in [0] : vector<16xf32>, vector<16xi32> -> vector<16xf32>
    %broadcast_in_dim3A_71 = arith.constant 15 : i32
    %broadcast_in_dim3A_72 = vector.broadcast %broadcast_in_dim3A_71 : i32 to vector<16x1xi32>
    %gather3A_73 = vector.shape_cast %broadcast_in_dim3A_72 : vector<16x1xi32> to vector<16xi32>
    %gather3A_74 = tpu.dynamic_gather %max3A_12[%gather3A_73] in [0] : vector<16xf32>, vector<16xi32> -> vector<16xf32>
    %get3A_75 = arith.constant 16 : index
    %get3A_76 = tpu.vector_load %arg9[%get3A_75] {strides = array<i32>} : memref<32xf32, #tpu.memory_space<vmem>>, vector<16xf32>,
    %get3A_77 = vector.shape_cast %get3A_76 : vector<16xf32> to vector<16xf32>
    %max3A_78 = arith.constant 0.000000e+00 : f32
    %max3A_79 = vector.broadcast %max3A_78 : f32 to vector<16xf32>
    %max3A_80 = arith.maximumf %get3A_77, %max3A_79 : vector<16xf32>
    %broadcast_in_dim3A_81 = arith.constant 0 : i32
    %broadcast_in_dim3A_82 = vector.broadcast %broadcast_in_dim3A_81 : i32 to vector<16x1xi32>
    %gather3A_83 = vector.shape_cast %broadcast_in_dim3A_82 : vector<16x1xi32> to vector<16xi32>
    %gather3A_84 = tpu.dynamic_gather %max3A_80[%gather3A_83] in [0] : vector<16xf32>, vector<16xi32> -> vector<16xf32>
    %broadcast_in_dim3A_85 = arith.constant 1 : i32
    %broadcast_in_dim3A_86 = vector.broadcast %broadcast_in_dim3A_85 : i32 to vector<16x1xi32>
    %gather3A_87 = vector.shape_cast %broadcast_in_dim3A_86 : vector<16x1xi32> to vector<16xi32>
    %gather3A_88 = tpu.dynamic_gather %max3A_80[%gather3A_87] in [0] : vector<16xf32>, vector<16xi32> -> vector<16xf32>
    %broadcast_in_dim3A_89 = arith.constant 2 : i32
    %broadcast_in_dim3A_90 = vector.broadcast %broadcast_in_dim3A_89 : i32 to vector<16x1xi32>
    %gather3A_91 = vector.shape_cast %broadcast_in_dim3A_90 : vector<16x1xi32> to vector<16xi32>
    %gather3A_92 = tpu.dynamic_gather %max3A_80[%gather3A_91] in [0] : vector<16xf32>, vector<16xi32> -> vector<16xf32>
    %broadcast_in_dim3A_93 = arith.constant 3 : i32
    %broadcast_in_dim3A_94 = vector.broadcast %broadcast_in_dim3A_93 : i32 to vector<16x1xi32>
    %gather3A_95 = vector.shape_cast %broadcast_in_dim3A_94 : vector<16x1xi32> to vector<16xi32>
    %gather3A_96 = tpu.dynamic_gather %max3A_80[%gather3A_95] in [0] : vector<16xf32>, vector<16xi32> -> vector<16xf32>
    %broadcast_in_dim3A_97 = arith.constant 4 : i32
    %broadcast_in_dim3A_98 = vector.broadcast %broadcast_in_dim3A_97 : i32 to vector<16x1xi32>
    %gather3A_99 = vector.shape_cast %broadcast_in_dim3A_98 : vector<16x1xi32> to vector<16xi32>
    %gather3A_100 = tpu.dynamic_gather %max3A_80[%gather3A_99] in [0] : vector<16xf32>, vector<16xi32> -> vector<16xf32>
    %broadcast_in_dim3A_101 = arith.constant 5 : i32
    %broadcast_in_dim3A_102 = vector.broadcast %broadcast_in_dim3A_101 : i32 to vector<16x1xi32>
    %gather3A_103 = vector.shape_cast %broadcast_in_dim3A_102 : vector<16x1xi32> to vector<16xi32>
    %gather3A_104 = tpu.dynamic_gather %max3A_80[%gather3A_103] in [0] : vector<16xf32>, vector<16xi32> -> vector<16xf32>
    %broadcast_in_dim3A_105 = arith.constant 6 : i32
    %broadcast_in_dim3A_106 = vector.broadcast %broadcast_in_dim3A_105 : i32 to vector<16x1xi32>
    %gather3A_107 = vector.shape_cast %broadcast_in_dim3A_106 : vector<16x1xi32> to vector<16xi32>
    %gather3A_108 = tpu.dynamic_gather %max3A_80[%gather3A_107] in [0] : vector<16xf32>, vector<16xi32> -> vector<16xf32>
    %broadcast_in_dim3A_109 = arith.constant 7 : i32
    %broadcast_in_dim3A_110 = vector.broadcast %broadcast_in_dim3A_109 : i32 to vector<16x1xi32>
    %gather3A_111 = vector.shape_cast %broadcast_in_dim3A_110 : vector<16x1xi32> to vector<16xi32>
    %gather3A_112 = tpu.dynamic_gather %max3A_80[%gather3A_111] in [0] : vector<16xf32>, vector<16xi32> -> vector<16xf32>
    %broadcast_in_dim3A_113 = arith.constant 8 : i32
    %broadcast_in_dim3A_114 = vector.broadcast %broadcast_in_dim3A_113 : i32 to vector<16x1xi32>
    %gather3A_115 = vector.shape_cast %broadcast_in_dim3A_114 : vector<16x1xi32> to vector<16xi32>
    %gather3A_116 = tpu.dynamic_gather %max3A_80[%gather3A_115] in [0] : vector<16xf32>, vector<16xi32> -> vector<16xf32>
    %broadcast_in_dim3A_117 = arith.constant 9 : i32
    %broadcast_in_dim3A_118 = vector.broadcast %broadcast_in_dim3A_117 : i32 to vector<16x1xi32>
    %gather3A_119 = vector.shape_cast %broadcast_in_dim3A_118 : vector<16x1xi32> to vector<16xi32>
    %gather3A_120 = tpu.dynamic_gather %max3A_80[%gather3A_119] in [0] : vector<16xf32>, vector<16xi32> -> vector<16xf32>
    %broadcast_in_dim3A_121 = arith.constant 10 : i32
    %broadcast_in_dim3A_122 = vector.broadcast %broadcast_in_dim3A_121 : i32 to vector<16x1xi32>
    %gather3A_123 = vector.shape_cast %broadcast_in_dim3A_122 : vector<16x1xi32> to vector<16xi32>
    %gather3A_124 = tpu.dynamic_gather %max3A_80[%gather3A_123] in [0] : vector<16xf32>, vector<16xi32> -> vector<16xf32>
    %broadcast_in_dim3A_125 = arith.constant 11 : i32
    %broadcast_in_dim3A_126 = vector.broadcast %broadcast_in_dim3A_125 : i32 to vector<16x1xi32>
    %gather3A_127 = vector.shape_cast %broadcast_in_dim3A_126 : vector<16x1xi32> to vector<16xi32>
    %gather3A_128 = tpu.dynamic_gather %max3A_80[%gather3A_127] in [0] : vector<16xf32>, vector<16xi32> -> vector<16xf32>
    %broadcast_in_dim3A_129 = arith.constant 12 : i32
    %broadcast_in_dim3A_130 = vector.broadcast %broadcast_in_dim3A_129 : i32 to vector<16x1xi32>
    %gather3A_131 = vector.shape_cast %broadcast_in_dim3A_130 : vector<16x1xi32> to vector<16xi32>
    %gather3A_132 = tpu.dynamic_gather %max3A_80[%gather3A_131] in [0] : vector<16xf32>, vector<16xi32> -> vector<16xf32>
    %broadcast_in_dim3A_133 = arith.constant 13 : i32
    %broadcast_in_dim3A_134 = vector.broadcast %broadcast_in_dim3A_133 : i32 to vector<16x1xi32>
    %gather3A_135 = vector.shape_cast %broadcast_in_dim3A_134 : vector<16x1xi32> to vector<16xi32>
    %gather3A_136 = tpu.dynamic_gather %max3A_80[%gather3A_135] in [0] : vector<16xf32>, vector<16xi32> -> vector<16xf32>
    %broadcast_in_dim3A_137 = arith.constant 14 : i32
    %broadcast_in_dim3A_138 = vector.broadcast %broadcast_in_dim3A_137 : i32 to vector<16x1xi32>
    %gather3A_139 = vector.shape_cast %broadcast_in_dim3A_138 : vector<16x1xi32> to vector<16xi32>
    %gather3A_140 = tpu.dynamic_gather %max3A_80[%gather3A_139] in [0] : vector<16xf32>, vector<16xi32> -> vector<16xf32>
    %broadcast_in_dim3A_141 = arith.constant 15 : i32
    %broadcast_in_dim3A_142 = vector.broadcast %broadcast_in_dim3A_141 : i32 to vector<16x1xi32>
    %gather3A_143 = vector.shape_cast %broadcast_in_dim3A_142 : vector<16x1xi32> to vector<16xi32>
    %gather3A_144 = tpu.dynamic_gather %max3A_80[%gather3A_143] in [0] : vector<16xf32>, vector<16xi32> -> vector<16xf32>
    %dma_wait3A_145 = arith.constant 0 : i32
    %dma_wait3A_146 = tpu.memref_slice %arg4[%dma_wait3A_145, %mul3A_0] : memref<65536x1024xf32, #tpu.memory_space<hbm>> -> memref<65536x512xf32, #tpu.memory_space<hbm>>
    tpu.wait_indirect_dma semaphore(%arg16 : memref<!tpu.dma_semaphore, #tpu.memory_space<semaphore_mem>>) src(%dma_wait3A_146 : memref<65536x512xf32, #tpu.memory_space<hbm>>) dst(%arg10 : memref<32x512xf32, #tpu.memory_space<vmem>>)
    %scan3A = arith.constant 0 : i32
    %scan3A_147 = arith.constant 0 : i32
    %scan3A_148 = arith.constant 16 : i32
    %scan3A_149 = arith.addi %scan3A_147, %scan3A_148 : i32
    %scan3A_150 = arith.constant 1 : i32
    scf.for %scan3A_158 = %scan3A_147 to %scan3A_149 step %scan3A_150  : i32 {
      %mul3A_159 = arith.constant 2 : i32
      %mul3A_160 = arith.muli %scan3A_158, %mul3A_159 : i32
      %add3A = arith.constant 0 : i32
      %add3A_161 = arith.addi %mul3A_160, %add3A : i32
      %mul3A_162 = arith.constant 16 : i32
      %mul3A_163 = arith.muli %add3A_161, %mul3A_162 : i32
      %get3A_164 = arith.constant 0 : i32
      %get3A_165 = arith.index_cast %get3A_164 : i32 to index
      %get3A_166 = arith.index_cast %mul3A_163 : i32 to index
      %get3A_167 = tpu.vector_load %arg10[%get3A_165, %get3A_166] {strides = array<i32>} : memref<32x512xf32, #tpu.memory_space<vmem>>, vector<1x16xf32>,
      %get3A_168 = vector.shape_cast %get3A_167 : vector<1x16xf32> to vector<16xf32>
      %mul3A_169 = arith.mulf %gather3A_14, %get3A_168 : vector<16xf32>
      %get3A_170 = arith.constant 1 : i32
      %get3A_171 = arith.index_cast %get3A_170 : i32 to index
      %get3A_172 = arith.index_cast %mul3A_163 : i32 to index
      %get3A_173 = tpu.vector_load %arg10[%get3A_171, %get3A_172] {strides = array<i32>} : memref<32x512xf32, #tpu.memory_space<vmem>>, vector<1x16xf32>,
      %get3A_174 = vector.shape_cast %get3A_173 : vector<1x16xf32> to vector<16xf32>
      %mul3A_175 = arith.mulf %gather3A_18, %get3A_174 : vector<16xf32>
      %get3A_176 = arith.constant 2 : i32
      %get3A_177 = arith.index_cast %get3A_176 : i32 to index
      %get3A_178 = arith.index_cast %mul3A_163 : i32 to index
      %get3A_179 = tpu.vector_load %arg10[%get3A_177, %get3A_178] {strides = array<i32>} : memref<32x512xf32, #tpu.memory_space<vmem>>, vector<1x16xf32>,
      %get3A_180 = vector.shape_cast %get3A_179 : vector<1x16xf32> to vector<16xf32>
      %mul3A_181 = arith.mulf %gather3A_22, %get3A_180 : vector<16xf32>
      %get3A_182 = arith.constant 3 : i32
      %get3A_183 = arith.index_cast %get3A_182 : i32 to index
      %get3A_184 = arith.index_cast %mul3A_163 : i32 to index
      %get3A_185 = tpu.vector_load %arg10[%get3A_183, %get3A_184] {strides = array<i32>} : memref<32x512xf32, #tpu.memory_space<vmem>>, vector<1x16xf32>,
      %get3A_186 = vector.shape_cast %get3A_185 : vector<1x16xf32> to vector<16xf32>
      %mul3A_187 = arith.mulf %gather3A_26, %get3A_186 : vector<16xf32>
      %get3A_188 = arith.constant 4 : i32
      %get3A_189 = arith.index_cast %get3A_188 : i32 to index
      %get3A_190 = arith.index_cast %mul3A_163 : i32 to index
      %get3A_191 = tpu.vector_load %arg10[%get3A_189, %get3A_190] {strides = array<i32>} : memref<32x512xf32, #tpu.memory_space<vmem>>, vector<1x16xf32>,
      %get3A_192 = vector.shape_cast %get3A_191 : vector<1x16xf32> to vector<16xf32>
      %mul3A_193 = arith.mulf %gather3A_30, %get3A_192 : vector<16xf32>
      %get3A_194 = arith.constant 5 : i32
      %get3A_195 = arith.index_cast %get3A_194 : i32 to index
      %get3A_196 = arith.index_cast %mul3A_163 : i32 to index
      %get3A_197 = tpu.vector_load %arg10[%get3A_195, %get3A_196] {strides = array<i32>} : memref<32x512xf32, #tpu.memory_space<vmem>>, vector<1x16xf32>,
      %get3A_198 = vector.shape_cast %get3A_197 : vector<1x16xf32> to vector<16xf32>
      %mul3A_199 = arith.mulf %gather3A_34, %get3A_198 : vector<16xf32>
      %get3A_200 = arith.constant 6 : i32
      %get3A_201 = arith.index_cast %get3A_200 : i32 to index
      %get3A_202 = arith.index_cast %mul3A_163 : i32 to index
      %get3A_203 = tpu.vector_load %arg10[%get3A_201, %get3A_202] {strides = array<i32>} : memref<32x512xf32, #tpu.memory_space<vmem>>, vector<1x16xf32>,
      %get3A_204 = vector.shape_cast %get3A_203 : vector<1x16xf32> to vector<16xf32>
      %mul3A_205 = arith.mulf %gather3A_38, %get3A_204 : vector<16xf32>
      %get3A_206 = arith.constant 7 : i32
      %get3A_207 = arith.index_cast %get3A_206 : i32 to index
      %get3A_208 = arith.index_cast %mul3A_163 : i32 to index
      %get3A_209 = tpu.vector_load %arg10[%get3A_207, %get3A_208] {strides = array<i32>} : memref<32x512xf32, #tpu.memory_space<vmem>>, vector<1x16xf32>,
      %get3A_210 = vector.shape_cast %get3A_209 : vector<1x16xf32> to vector<16xf32>
      %mul3A_211 = arith.mulf %gather3A_42, %get3A_210 : vector<16xf32>
      %get3A_212 = arith.constant 8 : i32
      %get3A_213 = arith.index_cast %get3A_212 : i32 to index
      %get3A_214 = arith.index_cast %mul3A_163 : i32 to index
      %get3A_215 = tpu.vector_load %arg10[%get3A_213, %get3A_214] {strides = array<i32>} : memref<32x512xf32, #tpu.memory_space<vmem>>, vector<1x16xf32>,
      %get3A_216 = vector.shape_cast %get3A_215 : vector<1x16xf32> to vector<16xf32>
      %mul3A_217 = arith.mulf %gather3A_46, %get3A_216 : vector<16xf32>
      %get3A_218 = arith.constant 9 : i32
      %get3A_219 = arith.index_cast %get3A_218 : i32 to index
      %get3A_220 = arith.index_cast %mul3A_163 : i32 to index
      %get3A_221 = tpu.vector_load %arg10[%get3A_219, %get3A_220] {strides = array<i32>} : memref<32x512xf32, #tpu.memory_space<vmem>>, vector<1x16xf32>,
      %get3A_222 = vector.shape_cast %get3A_221 : vector<1x16xf32> to vector<16xf32>
      %mul3A_223 = arith.mulf %gather3A_50, %get3A_222 : vector<16xf32>
      %get3A_224 = arith.constant 10 : i32
      %get3A_225 = arith.index_cast %get3A_224 : i32 to index
      %get3A_226 = arith.index_cast %mul3A_163 : i32 to index
      %get3A_227 = tpu.vector_load %arg10[%get3A_225, %get3A_226] {strides = array<i32>} : memref<32x512xf32, #tpu.memory_space<vmem>>, vector<1x16xf32>,
      %get3A_228 = vector.shape_cast %get3A_227 : vector<1x16xf32> to vector<16xf32>
      %mul3A_229 = arith.mulf %gather3A_54, %get3A_228 : vector<16xf32>
      %get3A_230 = arith.constant 11 : i32
      %get3A_231 = arith.index_cast %get3A_230 : i32 to index
      %get3A_232 = arith.index_cast %mul3A_163 : i32 to index
      %get3A_233 = tpu.vector_load %arg10[%get3A_231, %get3A_232] {strides = array<i32>} : memref<32x512xf32, #tpu.memory_space<vmem>>, vector<1x16xf32>,
      %get3A_234 = vector.shape_cast %get3A_233 : vector<1x16xf32> to vector<16xf32>
      %mul3A_235 = arith.mulf %gather3A_58, %get3A_234 : vector<16xf32>
      %get3A_236 = arith.constant 12 : i32
      %get3A_237 = arith.index_cast %get3A_236 : i32 to index
      %get3A_238 = arith.index_cast %mul3A_163 : i32 to index
      %get3A_239 = tpu.vector_load %arg10[%get3A_237, %get3A_238] {strides = array<i32>} : memref<32x512xf32, #tpu.memory_space<vmem>>, vector<1x16xf32>,
      %get3A_240 = vector.shape_cast %get3A_239 : vector<1x16xf32> to vector<16xf32>
      %mul3A_241 = arith.mulf %gather3A_62, %get3A_240 : vector<16xf32>
      %get3A_242 = arith.constant 13 : i32
      %get3A_243 = arith.index_cast %get3A_242 : i32 to index
      %get3A_244 = arith.index_cast %mul3A_163 : i32 to index
      %get3A_245 = tpu.vector_load %arg10[%get3A_243, %get3A_244] {strides = array<i32>} : memref<32x512xf32, #tpu.memory_space<vmem>>, vector<1x16xf32>,
      %get3A_246 = vector.shape_cast %get3A_245 : vector<1x16xf32> to vector<16xf32>
      %mul3A_247 = arith.mulf %gather3A_66, %get3A_246 : vector<16xf32>
      %get3A_248 = arith.constant 14 : i32
      %get3A_249 = arith.index_cast %get3A_248 : i32 to index
      %get3A_250 = arith.index_cast %mul3A_163 : i32 to index
      %get3A_251 = tpu.vector_load %arg10[%get3A_249, %get3A_250] {strides = array<i32>} : memref<32x512xf32, #tpu.memory_space<vmem>>, vector<1x16xf32>,
      %get3A_252 = vector.shape_cast %get3A_251 : vector<1x16xf32> to vector<16xf32>
      %mul3A_253 = arith.mulf %gather3A_70, %get3A_252 : vector<16xf32>
      %get3A_254 = arith.constant 15 : i32
      %get3A_255 = arith.index_cast %get3A_254 : i32 to index
      %get3A_256 = arith.index_cast %mul3A_163 : i32 to index
      %get3A_257 = tpu.vector_load %arg10[%get3A_255, %get3A_256] {strides = array<i32>} : memref<32x512xf32, #tpu.memory_space<vmem>>, vector<1x16xf32>,
      %get3A_258 = vector.shape_cast %get3A_257 : vector<1x16xf32> to vector<16xf32>
      %mul3A_259 = arith.mulf %gather3A_74, %get3A_258 : vector<16xf32>
      %get3A_260 = arith.constant 16 : i32
      %get3A_261 = arith.index_cast %get3A_260 : i32 to index
      %get3A_262 = arith.index_cast %mul3A_163 : i32 to index
      %get3A_263 = tpu.vector_load %arg10[%get3A_261, %get3A_262] {strides = array<i32>} : memref<32x512xf32, #tpu.memory_space<vmem>>, vector<1x16xf32>,
      %get3A_264 = vector.shape_cast %get3A_263 : vector<1x16xf32> to vector<16xf32>
      %mul3A_265 = arith.mulf %gather3A_84, %get3A_264 : vector<16xf32>
      %get3A_266 = arith.constant 17 : i32
      %get3A_267 = arith.index_cast %get3A_266 : i32 to index
      %get3A_268 = arith.index_cast %mul3A_163 : i32 to index
      %get3A_269 = tpu.vector_load %arg10[%get3A_267, %get3A_268] {strides = array<i32>} : memref<32x512xf32, #tpu.memory_space<vmem>>, vector<1x16xf32>,
      %get3A_270 = vector.shape_cast %get3A_269 : vector<1x16xf32> to vector<16xf32>
      %mul3A_271 = arith.mulf %gather3A_88, %get3A_270 : vector<16xf32>
      %get3A_272 = arith.constant 18 : i32
      %get3A_273 = arith.index_cast %get3A_272 : i32 to index
      %get3A_274 = arith.index_cast %mul3A_163 : i32 to index
      %get3A_275 = tpu.vector_load %arg10[%get3A_273, %get3A_274] {strides = array<i32>} : memref<32x512xf32, #tpu.memory_space<vmem>>, vector<1x16xf32>,
      %get3A_276 = vector.shape_cast %get3A_275 : vector<1x16xf32> to vector<16xf32>
      %mul3A_277 = arith.mulf %gather3A_92, %get3A_276 : vector<16xf32>
      %get3A_278 = arith.constant 19 : i32
      %get3A_279 = arith.index_cast %get3A_278 : i32 to index
      %get3A_280 = arith.index_cast %mul3A_163 : i32 to index
      %get3A_281 = tpu.vector_load %arg10[%get3A_279, %get3A_280] {strides = array<i32>} : memref<32x512xf32, #tpu.memory_space<vmem>>, vector<1x16xf32>,
      %get3A_282 = vector.shape_cast %get3A_281 : vector<1x16xf32> to vector<16xf32>
      %mul3A_283 = arith.mulf %gather3A_96, %get3A_282 : vector<16xf32>
      %get3A_284 = arith.constant 20 : i32
      %get3A_285 = arith.index_cast %get3A_284 : i32 to index
      %get3A_286 = arith.index_cast %mul3A_163 : i32 to index
      %get3A_287 = tpu.vector_load %arg10[%get3A_285, %get3A_286] {strides = array<i32>} : memref<32x512xf32, #tpu.memory_space<vmem>>, vector<1x16xf32>,
      %get3A_288 = vector.shape_cast %get3A_287 : vector<1x16xf32> to vector<16xf32>
      %mul3A_289 = arith.mulf %gather3A_100, %get3A_288 : vector<16xf32>
      %get3A_290 = arith.constant 21 : i32
      %get3A_291 = arith.index_cast %get3A_290 : i32 to index
      %get3A_292 = arith.index_cast %mul3A_163 : i32 to index
      %get3A_293 = tpu.vector_load %arg10[%get3A_291, %get3A_292] {strides = array<i32>} : memref<32x512xf32, #tpu.memory_space<vmem>>, vector<1x16xf32>,
      %get3A_294 = vector.shape_cast %get3A_293 : vector<1x16xf32> to vector<16xf32>
      %mul3A_295 = arith.mulf %gather3A_104, %get3A_294 : vector<16xf32>
      %get3A_296 = arith.constant 22 : i32
      %get3A_297 = arith.index_cast %get3A_296 : i32 to index
      %get3A_298 = arith.index_cast %mul3A_163 : i32 to index
      %get3A_299 = tpu.vector_load %arg10[%get3A_297, %get3A_298] {strides = array<i32>} : memref<32x512xf32, #tpu.memory_space<vmem>>, vector<1x16xf32>,
      %get3A_300 = vector.shape_cast %get3A_299 : vector<1x16xf32> to vector<16xf32>
      %mul3A_301 = arith.mulf %gather3A_108, %get3A_300 : vector<16xf32>
      %get3A_302 = arith.constant 23 : i32
      %get3A_303 = arith.index_cast %get3A_302 : i32 to index
      %get3A_304 = arith.index_cast %mul3A_163 : i32 to index
      %get3A_305 = tpu.vector_load %arg10[%get3A_303, %get3A_304] {strides = array<i32>} : memref<32x512xf32, #tpu.memory_space<vmem>>, vector<1x16xf32>,
      %get3A_306 = vector.shape_cast %get3A_305 : vector<1x16xf32> to vector<16xf32>
      %mul3A_307 = arith.mulf %gather3A_112, %get3A_306 : vector<16xf32>
      %get3A_308 = arith.constant 24 : i32
      %get3A_309 = arith.index_cast %get3A_308 : i32 to index
      %get3A_310 = arith.index_cast %mul3A_163 : i32 to index
      %get3A_311 = tpu.vector_load %arg10[%get3A_309, %get3A_310] {strides = array<i32>} : memref<32x512xf32, #tpu.memory_space<vmem>>, vector<1x16xf32>,
      %get3A_312 = vector.shape_cast %get3A_311 : vector<1x16xf32> to vector<16xf32>
      %mul3A_313 = arith.mulf %gather3A_116, %get3A_312 : vector<16xf32>
      %get3A_314 = arith.constant 25 : i32
      %get3A_315 = arith.index_cast %get3A_314 : i32 to index
      %get3A_316 = arith.index_cast %mul3A_163 : i32 to index
      %get3A_317 = tpu.vector_load %arg10[%get3A_315, %get3A_316] {strides = array<i32>} : memref<32x512xf32, #tpu.memory_space<vmem>>, vector<1x16xf32>,
      %get3A_318 = vector.shape_cast %get3A_317 : vector<1x16xf32> to vector<16xf32>
      %mul3A_319 = arith.mulf %gather3A_120, %get3A_318 : vector<16xf32>
      %get3A_320 = arith.constant 26 : i32
      %get3A_321 = arith.index_cast %get3A_320 : i32 to index
      %get3A_322 = arith.index_cast %mul3A_163 : i32 to index
      %get3A_323 = tpu.vector_load %arg10[%get3A_321, %get3A_322] {strides = array<i32>} : memref<32x512xf32, #tpu.memory_space<vmem>>, vector<1x16xf32>,
      %get3A_324 = vector.shape_cast %get3A_323 : vector<1x16xf32> to vector<16xf32>
      %mul3A_325 = arith.mulf %gather3A_124, %get3A_324 : vector<16xf32>
      %get3A_326 = arith.constant 27 : i32
      %get3A_327 = arith.index_cast %get3A_326 : i32 to index
      %get3A_328 = arith.index_cast %mul3A_163 : i32 to index
      %get3A_329 = tpu.vector_load %arg10[%get3A_327, %get3A_328] {strides = array<i32>} : memref<32x512xf32, #tpu.memory_space<vmem>>, vector<1x16xf32>,
      %get3A_330 = vector.shape_cast %get3A_329 : vector<1x16xf32> to vector<16xf32>
      %mul3A_331 = arith.mulf %gather3A_128, %get3A_330 : vector<16xf32>
      %get3A_332 = arith.constant 28 : i32
      %get3A_333 = arith.index_cast %get3A_332 : i32 to index
      %get3A_334 = arith.index_cast %mul3A_163 : i32 to index
      %get3A_335 = tpu.vector_load %arg10[%get3A_333, %get3A_334] {strides = array<i32>} : memref<32x512xf32, #tpu.memory_space<vmem>>, vector<1x16xf32>,
      %get3A_336 = vector.shape_cast %get3A_335 : vector<1x16xf32> to vector<16xf32>
      %mul3A_337 = arith.mulf %gather3A_132, %get3A_336 : vector<16xf32>
      %get3A_338 = arith.constant 29 : i32
      %get3A_339 = arith.index_cast %get3A_338 : i32 to index
      %get3A_340 = arith.index_cast %mul3A_163 : i32 to index
      %get3A_341 = tpu.vector_load %arg10[%get3A_339, %get3A_340] {strides = array<i32>} : memref<32x512xf32, #tpu.memory_space<vmem>>, vector<1x16xf32>,
      %get3A_342 = vector.shape_cast %get3A_341 : vector<1x16xf32> to vector<16xf32>
      %mul3A_343 = arith.mulf %gather3A_136, %get3A_342 : vector<16xf32>
      %get3A_344 = arith.constant 30 : i32
      %get3A_345 = arith.index_cast %get3A_344 : i32 to index
      %get3A_346 = arith.index_cast %mul3A_163 : i32 to index
      %get3A_347 = tpu.vector_load %arg10[%get3A_345, %get3A_346] {strides = array<i32>} : memref<32x512xf32, #tpu.memory_space<vmem>>, vector<1x16xf32>,
      %get3A_348 = vector.shape_cast %get3A_347 : vector<1x16xf32> to vector<16xf32>
      %mul3A_349 = arith.mulf %gather3A_140, %get3A_348 : vector<16xf32>
      %get3A_350 = arith.constant 31 : i32
      %get3A_351 = arith.index_cast %get3A_350 : i32 to index
      %get3A_352 = arith.index_cast %mul3A_163 : i32 to index
      %get3A_353 = tpu.vector_load %arg10[%get3A_351, %get3A_352] {strides = array<i32>} : memref<32x512xf32, #tpu.memory_space<vmem>>, vector<1x16xf32>,
      %get3A_354 = vector.shape_cast %get3A_353 : vector<1x16xf32> to vector<16xf32>
      %mul3A_355 = arith.mulf %gather3A_144, %get3A_354 : vector<16xf32>
      %add3A_356 = arith.addf %mul3A_169, %mul3A_175 : vector<16xf32>
      %add3A_357 = arith.addf %mul3A_181, %mul3A_187 : vector<16xf32>
      %add3A_358 = arith.addf %mul3A_193, %mul3A_199 : vector<16xf32>
      %add3A_359 = arith.addf %mul3A_205, %mul3A_211 : vector<16xf32>
      %add3A_360 = arith.addf %mul3A_217, %mul3A_223 : vector<16xf32>
      %add3A_361 = arith.addf %mul3A_229, %mul3A_235 : vector<16xf32>
      %add3A_362 = arith.addf %mul3A_241, %mul3A_247 : vector<16xf32>
      %add3A_363 = arith.addf %mul3A_253, %mul3A_259 : vector<16xf32>
      %add3A_364 = arith.addf %mul3A_265, %mul3A_271 : vector<16xf32>
      %add3A_365 = arith.addf %mul3A_277, %mul3A_283 : vector<16xf32>
      %add3A_366 = arith.addf %mul3A_289, %mul3A_295 : vector<16xf32>
      %add3A_367 = arith.addf %mul3A_301, %mul3A_307 : vector<16xf32>
      %add3A_368 = arith.addf %mul3A_313, %mul3A_319 : vector<16xf32>
      %add3A_369 = arith.addf %mul3A_325, %mul3A_331 : vector<16xf32>
      %add3A_370 = arith.addf %mul3A_337, %mul3A_343 : vector<16xf32>
      %add3A_371 = arith.addf %mul3A_349, %mul3A_355 : vector<16xf32>
      %add3A_372 = arith.addf %add3A_356, %add3A_357 : vector<16xf32>
      %add3A_373 = arith.addf %add3A_358, %add3A_359 : vector<16xf32>
      %add3A_374 = arith.addf %add3A_360, %add3A_361 : vector<16xf32>
      %add3A_375 = arith.addf %add3A_362, %add3A_363 : vector<16xf32>
      %add3A_376 = arith.addf %add3A_364, %add3A_365 : vector<16xf32>
      %add3A_377 = arith.addf %add3A_366, %add3A_367 : vector<16xf32>
      %add3A_378 = arith.addf %add3A_368, %add3A_369 : vector<16xf32>
      %add3A_379 = arith.addf %add3A_370, %add3A_371 : vector<16xf32>
      %add3A_380 = arith.addf %add3A_372, %add3A_373 : vector<16xf32>
      %add3A_381 = arith.addf %add3A_374, %add3A_375 : vector<16xf32>
      %add3A_382 = arith.addf %add3A_376, %add3A_377 : vector<16xf32>
      %add3A_383 = arith.addf %add3A_378, %add3A_379 : vector<16xf32>
      %add3A_384 = arith.addf %add3A_380, %add3A_381 : vector<16xf32>
      %add3A_385 = arith.addf %add3A_382, %add3A_383 : vector<16xf32>
      %add3A_386 = arith.addf %add3A_384, %add3A_385 : vector<16xf32>
      %swap3A = arith.constant 0 : i32
      %swap3A_387 = arith.index_cast %swap3A : i32 to index
      %swap3A_388 = arith.index_cast %mul3A_163 : i32 to index
      %swap3A_389 = tpu.vector_load %arg11[%swap3A_387, %swap3A_388] {strides = array<i32>} : memref<1x512xf32, #tpu.memory_space<vmem>>, vector<1x16xf32>,
      %swap3A_390 = vector.shape_cast %swap3A_389 : vector<1x16xf32> to vector<16xf32>
      %swap3A_391 = vector.shape_cast %add3A_386 : vector<16xf32> to vector<1x16xf32>
      tpu.vector_store %arg11[%swap3A_387, %swap3A_388], %swap3A_391 {strides = array<i32>} : memref<1x512xf32, #tpu.memory_space<vmem>>, vector<1x16xf32>,
      %mul3A_392 = arith.constant 2 : i32
      %mul3A_393 = arith.muli %scan3A_158, %mul3A_392 : i32
      %add3A_394 = arith.constant 1 : i32
      %add3A_395 = arith.addi %mul3A_393, %add3A_394 : i32
      %mul3A_396 = arith.constant 16 : i32
      %mul3A_397 = arith.muli %add3A_395, %mul3A_396 : i32
      %get3A_398 = arith.constant 0 : i32
      %get3A_399 = arith.index_cast %get3A_398 : i32 to index
      %get3A_400 = arith.index_cast %mul3A_397 : i32 to index
      %get3A_401 = tpu.vector_load %arg10[%get3A_399, %get3A_400] {strides = array<i32>} : memref<32x512xf32, #tpu.memory_space<vmem>>, vector<1x16xf32>,
      %get3A_402 = vector.shape_cast %get3A_401 : vector<1x16xf32> to vector<16xf32>
      %mul3A_403 = arith.mulf %gather3A_14, %get3A_402 : vector<16xf32>
      %get3A_404 = arith.constant 1 : i32
      %get3A_405 = arith.index_cast %get3A_404 : i32 to index
      %get3A_406 = arith.index_cast %mul3A_397 : i32 to index
      %get3A_407 = tpu.vector_load %arg10[%get3A_405, %get3A_406] {strides = array<i32>} : memref<32x512xf32, #tpu.memory_space<vmem>>, vector<1x16xf32>,
      %get3A_408 = vector.shape_cast %get3A_407 : vector<1x16xf32> to vector<16xf32>
      %mul3A_409 = arith.mulf %gather3A_18, %get3A_408 : vector<16xf32>
      %get3A_410 = arith.constant 2 : i32
      %get3A_411 = arith.index_cast %get3A_410 : i32 to index
      %get3A_412 = arith.index_cast %mul3A_397 : i32 to index
      %get3A_413 = tpu.vector_load %arg10[%get3A_411, %get3A_412] {strides = array<i32>} : memref<32x512xf32, #tpu.memory_space<vmem>>, vector<1x16xf32>,
      %get3A_414 = vector.shape_cast %get3A_413 : vector<1x16xf32> to vector<16xf32>
      %mul3A_415 = arith.mulf %gather3A_22, %get3A_414 : vector<16xf32>
      %get3A_416 = arith.constant 3 : i32
      %get3A_417 = arith.index_cast %get3A_416 : i32 to index
      %get3A_418 = arith.index_cast %mul3A_397 : i32 to index
      %get3A_419 = tpu.vector_load %arg10[%get3A_417, %get3A_418] {strides = array<i32>} : memref<32x512xf32, #tpu.memory_space<vmem>>, vector<1x16xf32>,
      %get3A_420 = vector.shape_cast %get3A_419 : vector<1x16xf32> to vector<16xf32>
      %mul3A_421 = arith.mulf %gather3A_26, %get3A_420 : vector<16xf32>
      %get3A_422 = arith.constant 4 : i32
      %get3A_423 = arith.index_cast %get3A_422 : i32 to index
      %get3A_424 = arith.index_cast %mul3A_397 : i32 to index
      %get3A_425 = tpu.vector_load %arg10[%get3A_423, %get3A_424] {strides = array<i32>} : memref<32x512xf32, #tpu.memory_space<vmem>>, vector<1x16xf32>,
      %get3A_426 = vector.shape_cast %get3A_425 : vector<1x16xf32> to vector<16xf32>
      %mul3A_427 = arith.mulf %gather3A_30, %get3A_426 : vector<16xf32>
      %get3A_428 = arith.constant 5 : i32
      %get3A_429 = arith.index_cast %get3A_428 : i32 to index
      %get3A_430 = arith.index_cast %mul3A_397 : i32 to index
      %get3A_431 = tpu.vector_load %arg10[%get3A_429, %get3A_430] {strides = array<i32>} : memref<32x512xf32, #tpu.memory_space<vmem>>, vector<1x16xf32>,
      %get3A_432 = vector.shape_cast %get3A_431 : vector<1x16xf32> to vector<16xf32>
      %mul3A_433 = arith.mulf %gather3A_34, %get3A_432 : vector<16xf32>
      %get3A_434 = arith.constant 6 : i32
      %get3A_435 = arith.index_cast %get3A_434 : i32 to index
      %get3A_436 = arith.index_cast %mul3A_397 : i32 to index
      %get3A_437 = tpu.vector_load %arg10[%get3A_435, %get3A_436] {strides = array<i32>} : memref<32x512xf32, #tpu.memory_space<vmem>>, vector<1x16xf32>,
      %get3A_438 = vector.shape_cast %get3A_437 : vector<1x16xf32> to vector<16xf32>
      %mul3A_439 = arith.mulf %gather3A_38, %get3A_438 : vector<16xf32>
      %get3A_440 = arith.constant 7 : i32
      %get3A_441 = arith.index_cast %get3A_440 : i32 to index
      %get3A_442 = arith.index_cast %mul3A_397 : i32 to index
      %get3A_443 = tpu.vector_load %arg10[%get3A_441, %get3A_442] {strides = array<i32>} : memref<32x512xf32, #tpu.memory_space<vmem>>, vector<1x16xf32>,
      %get3A_444 = vector.shape_cast %get3A_443 : vector<1x16xf32> to vector<16xf32>
      %mul3A_445 = arith.mulf %gather3A_42, %get3A_444 : vector<16xf32>
      %get3A_446 = arith.constant 8 : i32
      %get3A_447 = arith.index_cast %get3A_446 : i32 to index
      %get3A_448 = arith.index_cast %mul3A_397 : i32 to index
      %get3A_449 = tpu.vector_load %arg10[%get3A_447, %get3A_448] {strides = array<i32>} : memref<32x512xf32, #tpu.memory_space<vmem>>, vector<1x16xf32>,
      %get3A_450 = vector.shape_cast %get3A_449 : vector<1x16xf32> to vector<16xf32>
      %mul3A_451 = arith.mulf %gather3A_46, %get3A_450 : vector<16xf32>
      %get3A_452 = arith.constant 9 : i32
      %get3A_453 = arith.index_cast %get3A_452 : i32 to index
      %get3A_454 = arith.index_cast %mul3A_397 : i32 to index
      %get3A_455 = tpu.vector_load %arg10[%get3A_453, %get3A_454] {strides = array<i32>} : memref<32x512xf32, #tpu.memory_space<vmem>>, vector<1x16xf32>,
      %get3A_456 = vector.shape_cast %get3A_455 : vector<1x16xf32> to vector<16xf32>
      %mul3A_457 = arith.mulf %gather3A_50, %get3A_456 : vector<16xf32>
      %get3A_458 = arith.constant 10 : i32
      %get3A_459 = arith.index_cast %get3A_458 : i32 to index
      %get3A_460 = arith.index_cast %mul3A_397 : i32 to index
      %get3A_461 = tpu.vector_load %arg10[%get3A_459, %get3A_460] {strides = array<i32>} : memref<32x512xf32, #tpu.memory_space<vmem>>, vector<1x16xf32>,
      %get3A_462 = vector.shape_cast %get3A_461 : vector<1x16xf32> to vector<16xf32>
      %mul3A_463 = arith.mulf %gather3A_54, %get3A_462 : vector<16xf32>
      %get3A_464 = arith.constant 11 : i32
      %get3A_465 = arith.index_cast %get3A_464 : i32 to index
      %get3A_466 = arith.index_cast %mul3A_397 : i32 to index
      %get3A_467 = tpu.vector_load %arg10[%get3A_465, %get3A_466] {strides = array<i32>} : memref<32x512xf32, #tpu.memory_space<vmem>>, vector<1x16xf32>,
      %get3A_468 = vector.shape_cast %get3A_467 : vector<1x16xf32> to vector<16xf32>
      %mul3A_469 = arith.mulf %gather3A_58, %get3A_468 : vector<16xf32>
      %get3A_470 = arith.constant 12 : i32
      %get3A_471 = arith.index_cast %get3A_470 : i32 to index
      %get3A_472 = arith.index_cast %mul3A_397 : i32 to index
      %get3A_473 = tpu.vector_load %arg10[%get3A_471, %get3A_472] {strides = array<i32>} : memref<32x512xf32, #tpu.memory_space<vmem>>, vector<1x16xf32>,
      %get3A_474 = vector.shape_cast %get3A_473 : vector<1x16xf32> to vector<16xf32>
      %mul3A_475 = arith.mulf %gather3A_62, %get3A_474 : vector<16xf32>
      %get3A_476 = arith.constant 13 : i32
      %get3A_477 = arith.index_cast %get3A_476 : i32 to index
      %get3A_478 = arith.index_cast %mul3A_397 : i32 to index
      %get3A_479 = tpu.vector_load %arg10[%get3A_477, %get3A_478] {strides = array<i32>} : memref<32x512xf32, #tpu.memory_space<vmem>>, vector<1x16xf32>,
      %get3A_480 = vector.shape_cast %get3A_479 : vector<1x16xf32> to vector<16xf32>
      %mul3A_481 = arith.mulf %gather3A_66, %get3A_480 : vector<16xf32>
      %get3A_482 = arith.constant 14 : i32
      %get3A_483 = arith.index_cast %get3A_482 : i32 to index
      %get3A_484 = arith.index_cast %mul3A_397 : i32 to index
      %get3A_485 = tpu.vector_load %arg10[%get3A_483, %get3A_484] {strides = array<i32>} : memref<32x512xf32, #tpu.memory_space<vmem>>, vector<1x16xf32>,
      %get3A_486 = vector.shape_cast %get3A_485 : vector<1x16xf32> to vector<16xf32>
      %mul3A_487 = arith.mulf %gather3A_70, %get3A_486 : vector<16xf32>
      %get3A_488 = arith.constant 15 : i32
      %get3A_489 = arith.index_cast %get3A_488 : i32 to index
      %get3A_490 = arith.index_cast %mul3A_397 : i32 to index
      %get3A_491 = tpu.vector_load %arg10[%get3A_489, %get3A_490] {strides = array<i32>} : memref<32x512xf32, #tpu.memory_space<vmem>>, vector<1x16xf32>,
      %get3A_492 = vector.shape_cast %get3A_491 : vector<1x16xf32> to vector<16xf32>
      %mul3A_493 = arith.mulf %gather3A_74, %get3A_492 : vector<16xf32>
      %get3A_494 = arith.constant 16 : i32
      %get3A_495 = arith.index_cast %get3A_494 : i32 to index
      %get3A_496 = arith.index_cast %mul3A_397 : i32 to index
      %get3A_497 = tpu.vector_load %arg10[%get3A_495, %get3A_496] {strides = array<i32>} : memref<32x512xf32, #tpu.memory_space<vmem>>, vector<1x16xf32>,
      %get3A_498 = vector.shape_cast %get3A_497 : vector<1x16xf32> to vector<16xf32>
      %mul3A_499 = arith.mulf %gather3A_84, %get3A_498 : vector<16xf32>
      %get3A_500 = arith.constant 17 : i32
      %get3A_501 = arith.index_cast %get3A_500 : i32 to index
      %get3A_502 = arith.index_cast %mul3A_397 : i32 to index
      %get3A_503 = tpu.vector_load %arg10[%get3A_501, %get3A_502] {strides = array<i32>} : memref<32x512xf32, #tpu.memory_space<vmem>>, vector<1x16xf32>,
      %get3A_504 = vector.shape_cast %get3A_503 : vector<1x16xf32> to vector<16xf32>
      %mul3A_505 = arith.mulf %gather3A_88, %get3A_504 : vector<16xf32>
      %get3A_506 = arith.constant 18 : i32
      %get3A_507 = arith.index_cast %get3A_506 : i32 to index
      %get3A_508 = arith.index_cast %mul3A_397 : i32 to index
      %get3A_509 = tpu.vector_load %arg10[%get3A_507, %get3A_508] {strides = array<i32>} : memref<32x512xf32, #tpu.memory_space<vmem>>, vector<1x16xf32>,
      %get3A_510 = vector.shape_cast %get3A_509 : vector<1x16xf32> to vector<16xf32>
      %mul3A_511 = arith.mulf %gather3A_92, %get3A_510 : vector<16xf32>
      %get3A_512 = arith.constant 19 : i32
      %get3A_513 = arith.index_cast %get3A_512 : i32 to index
      %get3A_514 = arith.index_cast %mul3A_397 : i32 to index
      %get3A_515 = tpu.vector_load %arg10[%get3A_513, %get3A_514] {strides = array<i32>} : memref<32x512xf32, #tpu.memory_space<vmem>>, vector<1x16xf32>,
      %get3A_516 = vector.shape_cast %get3A_515 : vector<1x16xf32> to vector<16xf32>
      %mul3A_517 = arith.mulf %gather3A_96, %get3A_516 : vector<16xf32>
      %get3A_518 = arith.constant 20 : i32
      %get3A_519 = arith.index_cast %get3A_518 : i32 to index
      %get3A_520 = arith.index_cast %mul3A_397 : i32 to index
      %get3A_521 = tpu.vector_load %arg10[%get3A_519, %get3A_520] {strides = array<i32>} : memref<32x512xf32, #tpu.memory_space<vmem>>, vector<1x16xf32>,
      %get3A_522 = vector.shape_cast %get3A_521 : vector<1x16xf32> to vector<16xf32>
      %mul3A_523 = arith.mulf %gather3A_100, %get3A_522 : vector<16xf32>
      %get3A_524 = arith.constant 21 : i32
      %get3A_525 = arith.index_cast %get3A_524 : i32 to index
      %get3A_526 = arith.index_cast %mul3A_397 : i32 to index
      %get3A_527 = tpu.vector_load %arg10[%get3A_525, %get3A_526] {strides = array<i32>} : memref<32x512xf32, #tpu.memory_space<vmem>>, vector<1x16xf32>,
      %get3A_528 = vector.shape_cast %get3A_527 : vector<1x16xf32> to vector<16xf32>
      %mul3A_529 = arith.mulf %gather3A_104, %get3A_528 : vector<16xf32>
      %get3A_530 = arith.constant 22 : i32
      %get3A_531 = arith.index_cast %get3A_530 : i32 to index
      %get3A_532 = arith.index_cast %mul3A_397 : i32 to index
      %get3A_533 = tpu.vector_load %arg10[%get3A_531, %get3A_532] {strides = array<i32>} : memref<32x512xf32, #tpu.memory_space<vmem>>, vector<1x16xf32>,
      %get3A_534 = vector.shape_cast %get3A_533 : vector<1x16xf32> to vector<16xf32>
      %mul3A_535 = arith.mulf %gather3A_108, %get3A_534 : vector<16xf32>
      %get3A_536 = arith.constant 23 : i32
      %get3A_537 = arith.index_cast %get3A_536 : i32 to index
      %get3A_538 = arith.index_cast %mul3A_397 : i32 to index
      %get3A_539 = tpu.vector_load %arg10[%get3A_537, %get3A_538] {strides = array<i32>} : memref<32x512xf32, #tpu.memory_space<vmem>>, vector<1x16xf32>,
      %get3A_540 = vector.shape_cast %get3A_539 : vector<1x16xf32> to vector<16xf32>
      %mul3A_541 = arith.mulf %gather3A_112, %get3A_540 : vector<16xf32>
      %get3A_542 = arith.constant 24 : i32
      %get3A_543 = arith.index_cast %get3A_542 : i32 to index
      %get3A_544 = arith.index_cast %mul3A_397 : i32 to index
      %get3A_545 = tpu.vector_load %arg10[%get3A_543, %get3A_544] {strides = array<i32>} : memref<32x512xf32, #tpu.memory_space<vmem>>, vector<1x16xf32>,
      %get3A_546 = vector.shape_cast %get3A_545 : vector<1x16xf32> to vector<16xf32>
      %mul3A_547 = arith.mulf %gather3A_116, %get3A_546 : vector<16xf32>
      %get3A_548 = arith.constant 25 : i32
      %get3A_549 = arith.index_cast %get3A_548 : i32 to index
      %get3A_550 = arith.index_cast %mul3A_397 : i32 to index
      %get3A_551 = tpu.vector_load %arg10[%get3A_549, %get3A_550] {strides = array<i32>} : memref<32x512xf32, #tpu.memory_space<vmem>>, vector<1x16xf32>,
      %get3A_552 = vector.shape_cast %get3A_551 : vector<1x16xf32> to vector<16xf32>
      %mul3A_553 = arith.mulf %gather3A_120, %get3A_552 : vector<16xf32>
      %get3A_554 = arith.constant 26 : i32
      %get3A_555 = arith.index_cast %get3A_554 : i32 to index
      %get3A_556 = arith.index_cast %mul3A_397 : i32 to index
      %get3A_557 = tpu.vector_load %arg10[%get3A_555, %get3A_556] {strides = array<i32>} : memref<32x512xf32, #tpu.memory_space<vmem>>, vector<1x16xf32>,
      %get3A_558 = vector.shape_cast %get3A_557 : vector<1x16xf32> to vector<16xf32>
      %mul3A_559 = arith.mulf %gather3A_124, %get3A_558 : vector<16xf32>
      %get3A_560 = arith.constant 27 : i32
      %get3A_561 = arith.index_cast %get3A_560 : i32 to index
      %get3A_562 = arith.index_cast %mul3A_397 : i32 to index
      %get3A_563 = tpu.vector_load %arg10[%get3A_561, %get3A_562] {strides = array<i32>} : memref<32x512xf32, #tpu.memory_space<vmem>>, vector<1x16xf32>,
      %get3A_564 = vector.shape_cast %get3A_563 : vector<1x16xf32> to vector<16xf32>
      %mul3A_565 = arith.mulf %gather3A_128, %get3A_564 : vector<16xf32>
      %get3A_566 = arith.constant 28 : i32
      %get3A_567 = arith.index_cast %get3A_566 : i32 to index
      %get3A_568 = arith.index_cast %mul3A_397 : i32 to index
      %get3A_569 = tpu.vector_load %arg10[%get3A_567, %get3A_568] {strides = array<i32>} : memref<32x512xf32, #tpu.memory_space<vmem>>, vector<1x16xf32>,
      %get3A_570 = vector.shape_cast %get3A_569 : vector<1x16xf32> to vector<16xf32>
      %mul3A_571 = arith.mulf %gather3A_132, %get3A_570 : vector<16xf32>
      %get3A_572 = arith.constant 29 : i32
      %get3A_573 = arith.index_cast %get3A_572 : i32 to index
      %get3A_574 = arith.index_cast %mul3A_397 : i32 to index
      %get3A_575 = tpu.vector_load %arg10[%get3A_573, %get3A_574] {strides = array<i32>} : memref<32x512xf32, #tpu.memory_space<vmem>>, vector<1x16xf32>,
      %get3A_576 = vector.shape_cast %get3A_575 : vector<1x16xf32> to vector<16xf32>
      %mul3A_577 = arith.mulf %gather3A_136, %get3A_576 : vector<16xf32>
      %get3A_578 = arith.constant 30 : i32
      %get3A_579 = arith.index_cast %get3A_578 : i32 to index
      %get3A_580 = arith.index_cast %mul3A_397 : i32 to index
      %get3A_581 = tpu.vector_load %arg10[%get3A_579, %get3A_580] {strides = array<i32>} : memref<32x512xf32, #tpu.memory_space<vmem>>, vector<1x16xf32>,
      %get3A_582 = vector.shape_cast %get3A_581 : vector<1x16xf32> to vector<16xf32>
      %mul3A_583 = arith.mulf %gather3A_140, %get3A_582 : vector<16xf32>
      %get3A_584 = arith.constant 31 : i32
      %get3A_585 = arith.index_cast %get3A_584 : i32 to index
      %get3A_586 = arith.index_cast %mul3A_397 : i32 to index
      %get3A_587 = tpu.vector_load %arg10[%get3A_585, %get3A_586] {strides = array<i32>} : memref<32x512xf32, #tpu.memory_space<vmem>>, vector<1x16xf32>,
      %get3A_588 = vector.shape_cast %get3A_587 : vector<1x16xf32> to vector<16xf32>
      %mul3A_589 = arith.mulf %gather3A_144, %get3A_588 : vector<16xf32>
      %add3A_590 = arith.addf %mul3A_403, %mul3A_409 : vector<16xf32>
      %add3A_591 = arith.addf %mul3A_415, %mul3A_421 : vector<16xf32>
      %add3A_592 = arith.addf %mul3A_427, %mul3A_433 : vector<16xf32>
      %add3A_593 = arith.addf %mul3A_439, %mul3A_445 : vector<16xf32>
      %add3A_594 = arith.addf %mul3A_451, %mul3A_457 : vector<16xf32>
      %add3A_595 = arith.addf %mul3A_463, %mul3A_469 : vector<16xf32>
      %add3A_596 = arith.addf %mul3A_475, %mul3A_481 : vector<16xf32>
      %add3A_597 = arith.addf %mul3A_487, %mul3A_493 : vector<16xf32>
      %add3A_598 = arith.addf %mul3A_499, %mul3A_505 : vector<16xf32>
      %add3A_599 = arith.addf %mul3A_511, %mul3A_517 : vector<16xf32>
      %add3A_600 = arith.addf %mul3A_523, %mul3A_529 : vector<16xf32>
      %add3A_601 = arith.addf %mul3A_535, %mul3A_541 : vector<16xf32>
      %add3A_602 = arith.addf %mul3A_547, %mul3A_553 : vector<16xf32>
      %add3A_603 = arith.addf %mul3A_559, %mul3A_565 : vector<16xf32>
      %add3A_604 = arith.addf %mul3A_571, %mul3A_577 : vector<16xf32>
      %add3A_605 = arith.addf %mul3A_583, %mul3A_589 : vector<16xf32>
      %add3A_606 = arith.addf %add3A_590, %add3A_591 : vector<16xf32>
      %add3A_607 = arith.addf %add3A_592, %add3A_593 : vector<16xf32>
      %add3A_608 = arith.addf %add3A_594, %add3A_595 : vector<16xf32>
      %add3A_609 = arith.addf %add3A_596, %add3A_597 : vector<16xf32>
      %add3A_610 = arith.addf %add3A_598, %add3A_599 : vector<16xf32>
      %add3A_611 = arith.addf %add3A_600, %add3A_601 : vector<16xf32>
      %add3A_612 = arith.addf %add3A_602, %add3A_603 : vector<16xf32>
      %add3A_613 = arith.addf %add3A_604, %add3A_605 : vector<16xf32>
      %add3A_614 = arith.addf %add3A_606, %add3A_607 : vector<16xf32>
      %add3A_615 = arith.addf %add3A_608, %add3A_609 : vector<16xf32>
      %add3A_616 = arith.addf %add3A_610, %add3A_611 : vector<16xf32>
      %add3A_617 = arith.addf %add3A_612, %add3A_613 : vector<16xf32>
      %add3A_618 = arith.addf %add3A_614, %add3A_615 : vector<16xf32>
      %add3A_619 = arith.addf %add3A_616, %add3A_617 : vector<16xf32>
      %add3A_620 = arith.addf %add3A_618, %add3A_619 : vector<16xf32>
      %swap3A_621 = arith.constant 0 : i32
      %swap3A_622 = arith.index_cast %swap3A_621 : i32 to index
      %swap3A_623 = arith.index_cast %mul3A_397 : i32 to index
      %swap3A_624 = tpu.vector_load %arg11[%swap3A_622, %swap3A_623] {strides = array<i32>} : memref<1x512xf32, #tpu.memory_space<vmem>>, vector<1x16xf32>,
      %swap3A_625 = vector.shape_cast %swap3A_624 : vector<1x16xf32> to vector<16xf32>
      %swap3A_626 = vector.shape_cast %add3A_620 : vector<16xf32> to vector<1x16xf32>
      tpu.vector_store %arg11[%swap3A_622, %swap3A_623], %swap3A_626 {strides = array<i32>} : memref<1x512xf32, #tpu.memory_space<vmem>>, vector<1x16xf32>,
    }
    %scan3A_151 = arith.constant 16 : i32
    %barrier3A = arith.constant 0 : index
    tpu.barrier barrier_id(%barrier3A)
    tpu.wait_dma2 semaphore(%arg15 : memref<!tpu.dma_semaphore, #tpu.memory_space<semaphore_mem>>) src(%arg6 : memref<1xi32, #tpu.memory_space<hbm>>) dst(%arg12 : memref<1xi32, #tpu.memory_space<vmem>>)
    "tpu.region"() ({
      %run_scoped3A = tpu.sem_alloc : memref<!tpu.dma_semaphore, #tpu.memory_space<semaphore_mem>>
      %dma_start3A_158 = arith.constant 0 : i32
      %dma_start3A_159 = arith.constant 0 : i32
      %dma_start3A_160 = tpu.memref_slice %arg13[%dma_start3A_158, %dma_start3A_159] : memref<1x512xf32, #tpu.memory_space<vmem_shared>> -> memref<1x512xf32, #tpu.memory_space<vmem_shared>>
      tpu.enqueue_indirect_dma source(%arg11 : memref<1x512xf32, #tpu.memory_space<vmem>>) target(%dma_start3A_160 : memref<1x512xf32, #tpu.memory_space<vmem_shared>>) offsets(%arg12 : memref<1xi32, #tpu.memory_space<vmem>>) semaphore(%run_scoped3A : memref<!tpu.dma_semaphore, #tpu.memory_space<semaphore_mem>>) {add = true}
      %dma_wait3A_161 = arith.constant 0 : i32
      %dma_wait3A_162 = arith.constant 0 : i32
      %dma_wait3A_163 = tpu.memref_slice %arg13[%dma_wait3A_161, %dma_wait3A_162] : memref<1x512xf32, #tpu.memory_space<vmem_shared>> -> memref<1x512xf32, #tpu.memory_space<vmem_shared>>
      tpu.wait_indirect_dma semaphore(%run_scoped3A : memref<!tpu.dma_semaphore, #tpu.memory_space<semaphore_mem>>) src(%arg11 : memref<1x512xf32, #tpu.memory_space<vmem>>) dst(%dma_wait3A_163 : memref<1x512xf32, #tpu.memory_space<vmem_shared>>)
      tpu.yield
    }) : () -> ()
    %barrier3A_152 = arith.constant 0 : index
    tpu.barrier barrier_id(%barrier3A_152)
    %eq3A_153 = arith.constant 0 : i32
    %eq3A_154 = arith.cmpi eq, %arg1, %eq3A_153 : i32
    %convert_element_type3A_155 = arith.extui %eq3A_154 : i1 to i32
    %cond3A_156 = arith.constant 0 : i32
    %cond3A_157 = arith.cmpi ne, %convert_element_type3A_155, %cond3A_156 : i32
    scf.if %cond3A_157 {
      "tpu.region"() ({
        %run_scoped3A = tpu.sem_alloc : memref<!tpu.dma_semaphore, #tpu.memory_space<semaphore_mem>>
        tpu.enqueue_dma source(%arg13 : memref<1x512xf32, #tpu.memory_space<vmem_shared>>) target(%arg11 : memref<1x512xf32, #tpu.memory_space<vmem>>) target_semaphore(%run_scoped3A : memref<!tpu.dma_semaphore, #tpu.memory_space<semaphore_mem>>)
        tpu.wait_dma2 semaphore(%run_scoped3A : memref<!tpu.dma_semaphore, #tpu.memory_space<semaphore_mem>>) src(%arg13 : memref<1x512xf32, #tpu.memory_space<vmem_shared>>) dst(%arg11 : memref<1x512xf32, #tpu.memory_space<vmem>>)
        tpu.yield
      }) : () -> ()
      "tpu.region"() ({
        %run_scoped3A = tpu.sem_alloc : memref<!tpu.dma_semaphore, #tpu.memory_space<semaphore_mem>>
        %dma_start3A_158 = arith.constant 0 : i32
        %dma_start3A_159 = tpu.memref_slice %arg7[%dma_start3A_158, %mul3A_0] : memref<1x1024xf32, #tpu.memory_space<hbm>> -> memref<1x512xf32, #tpu.memory_space<hbm>>
        %dma_start3A_160 = arith.constant 0 : i32
        %dma_start3A_161 = tpu.memref_slice %arg7[%dma_start3A_160, %mul3A_0] : memref<1x1024xf32, #tpu.memory_space<hbm>> -> memref<1x512xf32, #tpu.memory_space<hbm>>
        tpu.enqueue_dma source(%arg11 : memref<1x512xf32, #tpu.memory_space<vmem>>) target(%dma_start3A_161 : memref<1x512xf32, #tpu.memory_space<hbm>>) target_semaphore(%run_scoped3A : memref<!tpu.dma_semaphore, #tpu.memory_space<semaphore_mem>>)
        %dma_wait3A_162 = arith.constant 0 : i32
        %dma_wait3A_163 = tpu.memref_slice %arg7[%dma_wait3A_162, %mul3A_0] : memref<1x1024xf32, #tpu.memory_space<hbm>> -> memref<1x512xf32, #tpu.memory_space<hbm>>
        %dma_wait3A_164 = arith.constant 0 : i32
        %dma_wait3A_165 = tpu.memref_slice %arg7[%dma_wait3A_164, %mul3A_0] : memref<1x1024xf32, #tpu.memory_space<hbm>> -> memref<1x512xf32, #tpu.memory_space<hbm>>
        tpu.wait_dma2 semaphore(%run_scoped3A : memref<!tpu.dma_semaphore, #tpu.memory_space<semaphore_mem>>) src(%arg11 : memref<1x512xf32, #tpu.memory_space<vmem>>) dst(%dma_wait3A_165 : memref<1x512xf32, #tpu.memory_space<hbm>>)
        tpu.yield
      }) : () -> ()
    } else {
    }
    return
  }
}

</mosaic_0001>

<sc_bundles>
// kernel: kernel.3.cloned.1.call-start
scs
__scs_entry_jumppad:
0x0: {  	(pc) =	sbr.rel $0x88, $3  }
0x1: {  	(tag) =	ssettag $0x0;
	lr =	simm.s32 $0x1  }
0x2: {  	[smem:$0x3F9D] =	sst lr;
	_ =	strace $0xD0000000  }
0x3: {  	_ = 	snop  }
0x4: {  	_ = 	snop  }
0x5: {  	_ = 	snop  }
0x6: {  	_ = 	snop  }
0x7: {  	_ = 	snop  }
__scs_overlays_trampoline_lowered:
0x8: {  	[smem:$0x3FAC] =	sst s0  }
0x9: {  	[smem:$0x3FAD] =	sst s1  }
0xa: {  	[smem:$0x3FAE] =	sst s2  }
0xb: {  	[smem:$0x3FAF] =	sst s3  }
0xc: {  	[smem:$0x3FB0] =	sst s4  }
0xd: {  	[smem:$0x3FB1] =	sst s5  }
0xe: {  	[smem:$0x3FB2] =	sst s6  }
0xf: {  	[smem:$0x3FB3] =	sst s7  }
0x10: {  	[smem:$0x3FB4] =	sst s8  }
0x11: {  	[smem:$0x3FB5] =	sst s9;
	s0 =	simm.s32 @!p0 $0x0  }
0x12: {  	s1 =	sld [smem:$0x3F9B];
	s0 =	simm.s32 @p0 $0x1  }
0x13: {  	[smem:$0x3FB6] =	sst s0;
	s0 =	simm.s32 @!p1 $0x0  }
0x14: {  	s2 =	sld [smem:$0x3F9A];
	s0 =	simm.s32 @p1 $0x1  }
0x15: {  	[smem:$0x3FB7] =	sst s0;
	s0 =	simm.s32 @!p2 $0x0  }
0x16: {  	s3 =	sld [smem:$0x3FDB];
	s0 =	simm.s32 @p2 $0x1  }
0x17: {  	s4 =	simm.s32 $0x1BF5;
	[smem:$0x3FB9] =	sst s0  }
0x18: {  	s0 =	sld [smem:$0x3F9C];
	_ =	swait.ge [sflag:s4], $0x0  }
0x19: {  	s7 =	sld [smem:$0x3F9D]  }
0x1a: {  	s8 =	sadd.s32 $0xFFFFE003, lr  }
0x1b: {  	s9 =	sadd.s32 $0xFFFFFEF7, lr;
	s5 =	simm.s32 $0xFFFFFFFF;
	p2 =	slt.u32 s8, $0xFFFFF086  }
0x1c: {  	p1 =	slt.u32 s9, $0xF7A;
	s5 =	simm.s32 @!p2 $0x0  }
0x1d: {  	s5 =	simm.s32 @p1 $0x1;
	p0 =	seq.s32 s7, s2  }
0x1e: {  	s7 =	smul.u32 @!p0 $0xF7A, s2;
	p2 =	seq.s32 @!p0 s5, $0x0  }
0x1f: {  	s9 =	smul.u32 $0xF7A, s1;
	s8 =	simm.s32 @!p0 $0x1BF5;
	p2 =	por !p2, p0  }
0x20: {  	[sflag:s8] =	ssyncset.s32 @!p0 $0xFFFFF086;
	s6 =	sadd.s32 @!p0 s3, s7;
	s7 =	simm.s32 @!p0 $0x108  }
0x21: {  	s3 =	sadd.s32 s3, s9;
	s6 =	sadd.s32 @!p0 $0x88, s6;
	s7 =	simm.s32 @p2 $0x1082  }
0x22: {  	[simem:s7], [sflag:s8] =	dma.local @!p0 [hbm:s6], $0xF7A  }
0x23: {  	s9 =	sor.u32 $0xD0000000, s2;
	s6 =	simm.s32 $0x108;
	_ =	swait.ge @!p0 [sflag:s8], $0x0  }
0x24: {  	s3 =	sadd.s32 $0x88, s3;
	s6 =	simm.s32 @!p1 $0x1082;
	[sflag:s4] =	ssyncset.s32 $0xFFFFF086  }
0x25: {  	[simem:s6], [sflag:s4] =	dma.local [hbm:s3], $0xF7A  }
0x26: {  	[smem:$0x3F9D] =	sst s1;
	(tag) =	ssettag s2;
	_ =	strace s9  }
0x27: {  	s1 =	sld [smem:$0x3FAD]  }
0x28: {  	s2 =	sld [smem:$0x3FAE]  }
0x29: {  	s4 =	sld [smem:$0x3FB0]  }
0x2a: {  	p0 =	seq.s32 s5, $0x0;
	s5 =	sld [smem:$0x3FB1]  }
0x2b: {  	s6 =	sld [smem:$0x3FB2]  }
0x2c: {  	s7 =	sld [smem:$0x3FB3]  }
0x2d: {  	s3 =	simm.s32 $0x108;
	s8 =	sld [smem:$0x3FB4]  }
0x2e: {  	s3 =	simm.s32 @!p0 $0x1082;
	s9 =	sld [smem:$0x3FB5]  }
0x2f: {  	lr =	sadd.s32 s0, s3;
	s0 =	sld [smem:$0x3FAC]  }
0x30: {  	s3 =	sld [smem:$0x3FAF]  }
0x31: {  	[smem:$0x3FB8] =	sst s10  }
0x32: {  	s10 =	sld [smem:$0x3FB6];
	_ =	sdelay $0x3  }
0x33: {  	p0 =	seq.s32 s10, $0x1;
	s10 =	sld [smem:$0x3FB8];
	_ =	sdelay $0x3  }
0x34: {  	[smem:$0x3FB8] =	sst s10  }
0x35: {  	s10 =	sld [smem:$0x3FB7];
	_ =	sdelay $0x3  }
0x36: {  	p1 =	seq.s32 s10, $0x1;
	s10 =	sld [smem:$0x3FB8];
	_ =	sdelay $0x3  }
0x37: {  	[smem:$0x3FB8] =	sst s10  }
0x38: {  	s10 =	sld [smem:$0x3FB9]  }
0x39: {  	_ = 	snop;
	(pc) =	sbr.ind lr, $3  }
0x3a: {  	_ = 	snop  }
0x3b: {  	_ = 	snop  }
0x3c: {  	p2 =	seq.s32 s10, $0x1;
	s10 =	sld [smem:$0x3FB8]  }
0x3d: {  	_ =	shalt  }
0x3e: {  	_ =	shalt  }
0x3f: {  	_ =	shalt  }
0x40: {  	_ =	shalt  }
0x41: {  	_ =	shalt  }
0x42: {  	_ =	shalt  }
0x43: {  	_ =	shalt  }
0x44: {  	_ =	shalt  }
0x45: {  	_ =	shalt  }
0x46: {  	_ =	shalt  }
0x47: {  	_ =	shalt  }
0x48: {  	_ =	shalt  }
0x49: {  	_ =	shalt  }
0x4a: {  	_ =	shalt  }
0x4b: {  	_ =	shalt  }
0x4c: {  	_ =	shalt  }
0x4d: {  	_ =	shalt  }
0x4e: {  	_ =	shalt  }
0x4f: {  	_ =	shalt  }
0x50: {  	_ =	shalt  }
0x51: {  	_ =	shalt  }
0x52: {  	_ =	shalt  }
0x53: {  	_ =	shalt  }
0x54: {  	_ =	shalt  }
0x55: {  	_ =	shalt  }
0x56: {  	_ =	shalt  }
0x57: {  	_ =	shalt  }
0x58: {  	_ =	shalt  }
0x59: {  	_ =	shalt  }
0x5a: {  	_ =	shalt  }
0x5b: {  	_ =	shalt  }
0x5c: {  	_ =	shalt  }
0x5d: {  	_ =	shalt  }
0x5e: {  	_ =	shalt  }
0x5f: {  	_ =	shalt  }
0x60: {  	_ =	shalt  }
0x61: {  	_ =	shalt  }
0x62: {  	_ =	shalt  }
0x63: {  	_ =	shalt  }
0x64: {  	_ =	shalt  }
0x65: {  	_ =	shalt  }
0x66: {  	_ =	shalt  }
0x67: {  	_ =	shalt  }
0x68: {  	_ =	shalt  }
0x69: {  	_ =	shalt  }
0x6a: {  	_ =	shalt  }
0x6b: {  	_ =	shalt  }
0x6c: {  	_ =	shalt  }
0x6d: {  	_ =	shalt  }
0x6e: {  	_ =	shalt  }
0x6f: {  	_ =	shalt  }
0x70: {  	_ =	shalt  }
0x71: {  	_ =	shalt  }
0x72: {  	_ =	shalt  }
0x73: {  	_ =	shalt  }
0x74: {  	_ =	shalt  }
0x75: {  	_ =	shalt  }
0x76: {  	_ =	shalt  }
0x77: {  	_ =	shalt  }
0x78: {  	_ =	shalt  }
0x79: {  	_ =	shalt  }
0x7a: {  	_ =	shalt  }
0x7b: {  	_ =	shalt  }
0x7c: {  	_ =	shalt  }
0x7d: {  	_ =	shalt  }
0x7e: {  	_ =	shalt  }
0x7f: {  	_ =	shalt  }
0x80: {  	_ =	shalt  }
0x81: {  	_ =	shalt  }
0x82: {  	_ =	shalt  }
0x83: {  	_ =	shalt  }
0x84: {  	_ =	shalt  }
0x85: {  	_ =	shalt  }
0x86: {  	_ =	shalt  }
0x87: {  	_ =	shalt  }
.Lfunc_end0:
.L_simem_size_0:
called_computation_lowered:
.L_overlay_start_0:
0x88: {  	s2 =	sld [smem:$0x3FD9]  }
0x89: {  	s3 =	sld [smem:$0x3FFE];
	_ =	sdelay $0x1  }
0x8a: {  	s1 =	srdreg.scid  }
0x8b: {  	s0 =	sand.u32 $0x1, s1  }
0x8c: {  	s17 =	sshll.u32 s0, $0xA;
	s2 =	sadd.s32 s3, s2  }
0x8d: {  	s2 =	sadd.s32 s2, s17  }
0x8e: {  	[smem:$0x3FC4] =	sst s2  }
0x8f: {  	_ = 	snop  }
0x90: {  	s2 =	sld [smem:$0x3FC9]  }
0x91: {  	s18 =	sld [smem:$0x3FC8]  }
0x92: {  	s4 =	sld [smem:$0x3FC7]  }
0x93: {  	s5 =	sld [smem:$0x3FC6]  }
0x94: {  	s6 =	sld [smem:$0x3FD0];
	(tm) =	ssettm $0x1  }
0x95: {  	s7 =	sld [smem:$0x3FFB];
	_ =	sdelay $0x3  }
0x96: {  	_ =	strace s7  }
0x97: {  	s7 =	sld [smem:$0x3FFC];
	_ =	sdelay $0x3  }
0x98: {  	_ =	strace s7  }
0x99: {  	s7 =	sld [smem:$0x3FFD];
	_ =	sdelay $0x3  }
0x9a: {  	_ =	strace s7  }
0x9b: {  	_ =	strace $0x8FFFFFFF  }
0x9c: {  	s19 =	sld [smem:$0x3FDB];
	_ =	sdelay $0x1  }
0x9d: {  	s8 =	simm.s32 $_scs_section_size  }
0x9e: {  	s9 =	simm.s32 $_size__tile_overlayer_lowered;
	s10 =	simm.s32 $_tile_overlayer_lowered  }
0x9f: {  	s22 =	simm.s32 $0x1BFF;
	s21 =	sshll.u32 s10, $0x1;
	s7 =	sadd.s32 s8, s19  }
0xa0: {  	s11 =	simm.s32 $0x0;
	s20 =	sshll.u32 s9, $0x1;
	s9 =	sadd.s32 s21, s7  }
0xa1: {  	[timem:s11], [sflag:s22] =	dma.local [hbm:s9], s20  }
0xa2: {  	_ =	swait.ge [sflag:s22], s20  }
0xa3: {  	s8 =	ssub.s32 $0x0, s20;
	[sflag:s22] =	ssyncset.done $0x0  }
0xa4: {  	[sflag:s22] =	ssyncadd.s32 s8;
	_ =	sdelay $0x1  }
0xa5: {  	s23 =	simm.s32 $0x1B8B  }
0xa6: {  	_ =	swait.ge [sflag:s23], $0x1  }
0xa7: {  	[sflag:s23] =	ssyncset.done $0x0  }
0xa8: {  	s25 =	simm.s32 $0x1B8E;
	s24 =	sld [smem:$0x3FFE];
	[sflag:s23] =	ssyncadd.s32 $0xFFFFFFFF  }
0xa9: {  	s26 =	simm.s32 $execute0_lowered;
	[smem:$0x3FD2] =	sst s25  }
0xaa: {  	s9 =	sshll.u32 s26, $0x1;
	_ =	strace $0x80000046;
	[dreg:$0x1] =	wrdreg $0xFFFFFFFF  }
0xab: {  	s28 =	simm.s32 $_size_execute0_lowered;
	s7 =	sadd.s32 s7, s9;
	[dreg:$0x0] =	wrdreg $0x0  }
0xac: {  	s9 =	sshll.u32 s28, $0x1;
	[dreg:$0x2] =	wrdreg s7  }
0xad: {  	[dreg:$0x3] =	wrdreg s9  }
0xae: {  	[dreg:$0x4] =	wrdreg $0xC0  }
0xaf: {  	_ =	task [dreg:s11], $0x5FFFF  }
0xb0: {  	[dreg:$0x1] =	wrdreg $0xFFFFFFFF  }
0xb1: {  	[dreg:$0x0] =	wrdreg $0x60  }
0xb2: {  	[dreg:$0x2] =	wrdreg s2  }
0xb3: {  	[dreg:$0x3] =	wrdreg s18  }
0xb4: {  	[dreg:$0x4] =	wrdreg s4  }
0xb5: {  	[dreg:$0x5] =	wrdreg s5  }
0xb6: {  	[dreg:$0x6] =	wrdreg s24  }
0xb7: {  	[dreg:$0x7] =	wrdreg s6  }
0xb8: {  	[dreg:$0x8] =	wrdreg $0x43800  }
0xb9: {  	[dreg:$0x9] =	wrdreg $0x9  }
0xba: {  	_ =	task.clear_ibuf [dreg:s11], $0xAFFFF;
	_ =	strace $0x90000046  }
0xbb: {  	s29 =	simm.s32 $0x9;
	_ =	strace $0x80000048  }
0xbc: {  	_ =	swait.ge [sflag:s29], $0x1  }
0xbd: {  	[sflag:s29] =	ssyncadd.s32 $0xFFFFFFFF  }
0xbe: {  	_ =	strace $0x90000048  }
0xbf: {  	_ =	sfence  }
0xc0: {  	s30 =	sld [smem:$0x0];
	_ =	sdelay $0x2  }
0xc1: {  	s31 =	sshll.u32 s1, $0xD;
	s1 =	sshrl.u32 s1, $0x2  }
0xc2: {  	s3 =	sand.u32 $0x4000, s31;
	s1 =	sadd.s32 s1, s30  }
0xc3: {  	s0 =	sor.u32 s3, s0;
	s1 =	sshll.u32 s1, $0x11  }
0xc4: {  	s0 =	sor.u32 s1, s0  }
0xc5: {  	s0 =	sadd.s32 $0x8F2B, s0  }
0xc6: {  	[sflag:s0] =	ssyncadd.remote.s32 $0x1  }
0xc7: {  	_ =	sfence.sel $0xFFFF  }
0xc8: {  	[dreg:$0x0] =	wrdreg $0xFFFFFFFF;
	(pc) =	sbr.abs _section_cstart, $3  }
0xc9: {  	[dreg:$0x1] =	wrdreg $0xFFFFFFFF  }
0xca: {  	_ =	task.clear_ibuf [dreg:s11], $0x2FFFF;
	_ =	strace $0x9FFFFFFF  }
0xcb: {  	(tm) =	ssettm $0x7FFFFFFF  }
tec
execute0_lowered:
.L_overlay_start_1:
0x0: {  	(tag) =	ssettag $0x1  }
0x1: {  	s0 =	rddreg [dreg:$0x0]  }
0x2: {  	s1 =	rddreg [dreg:$0x2]  }
0x3: {  	s2 =	rddreg [dreg:$0x3]  }
0x4: {  	s4 =	rddreg [dreg:$0x4]  }
0x5: {  	s5 =	rddreg [dreg:$0x5]  }
0x6: {  	s3 =	rddreg [dreg:$0x6]  }
0x7: {  	s6 =	srdreg.scid;
	s7 =	simm.s32 $0x0;
	s8 =	stileid.u32  }
0x8: {  	s6 =	sand.u32 $0x1, s6;
	[smem:$0x7FF] =	sst s7;
	s4 =	sadd.s32 $0x400, s4  }
0x9: {  	s26 =	sshll.u32 s8, $0x2;
	p0 =	sne.s32 s8, $0x0;
	_ =	strace $0x80000047  }
0xa: {  	[dreg:$0x8] =	wrdreg s4;
	s25 =	sshll.u32 s6, $0x6;
	s0 =	sadd.s32 s0, s26  }
0xb: {  	s23 =	ssub.s32 $0x2, s6;
	s2 =	sadd.s32 s2, s25;
	[dreg:$0xa] =	wrdreg s0  }
0xc: {  	s6 =	sshll.u32 s6, $0x9;
	s30 =	sadd.s32 s5, s25;
	[dreg:$0x9] =	wrdreg s2  }
0xd: {  	v4 =	vlaneseq.u32;
	s28 =	sadd.s32 s1, s6;
	s1 =	sshrl.u32 @!p0 s3, $0x3;
	[dreg:$0xc] =	wrdreg s30  }
0xe: {  	s29 =	simm.s32 $0x0;
	v0 =	vand.u32 $0x7, v4;
	v2 =	vshrl.u32 v4, $0x3;
	s24 =	sshrl.u32 s23, $0x1;
	[dreg:$0xe] =	wrdreg s1  }
0xf: {  	v63 =	vor.u32 $0x8, v4;
	[tilespmem:$0x1FFD0] =	vst v0;
	v62 =	vmul.u32 $0x8, v2;
	s4 =	ssub.s32 s23, s24;
	[dreg:$0xb] =	wrdreg s28;
	s0 =	sadd.s32 $0x100, s28  }
0x10: {  	[tilespmem:$0x1FFF0] =	vst v63;
	s5 =	simm.s32 $0x4300;
	s31 =	smax.u32 s4, $0x1;
	[dreg:$0xf] =	wrdreg s0  }
0x11: {  	vm0 =	vmmov $0xffff;
	s6 =	simm.s32 $0x1;
	[tilespmem:$0x1FFE0] =	vst v62;
	s4 =	simm.s32 $0x5;
	[dreg:$0xd] =	wrdreg s31  }
.LBB2_1:
0x12: {  	s1 =	rddreg [dreg:$0x9]  }
0x13: {  	s0 =	simm.s32 @!p0 $0x1C04;
	s2 =	rddreg [dreg:$0xe]  }
0x14: {  	[spmem:s2], [sflag:s0] =	dma.local @!p0 [hbm:s1], $0x40  }
0x15: {  	s0 =	simm.s32 @!p0 $0x4  }
0x16: {  	_ =	swait.ge @!p0 [sflag:s0], $0x40  }
0x17: {  	[sflag:s0] =	ssyncset.done @!p0 $0x0  }
0x18: {  	s12 =	simm.s32 $0x0;
	s13 =	rddreg [dreg:$0xa];
	[sflag:s0] =	ssyncadd.s32 @!p0 $0xFFFFFFC0  }
0x19: {  	[tilespmem:s12], [sflag:$0x5] =	stream.linear.gather [hbm4b:s13+s12], $0x20, $0x38;
	[tilespmem:$0x43A0] =	vst v63  }
0x1a: {  	_ =	swait.ge [sflag:s4], $0x20  }
0x1b: {  	[sflag:s4] =	ssyncset.done $0x0  }
0x1c: {  	[sflag:s4] =	ssyncadd.s32 $0xFFFFFFE0  }
0x1d: {  	s15 =	simm.s32 $0x20;
	s3 =	simm.s32 $0x80;
	s14 =	rddreg [dreg:$0x1]  }
0x1e: {  	[tilespmem:s3], [sflag:$0x1] =	stream.indirect.gather [hbm4b:s14+s15], $0x1, s12, s15, $0xb8;
	[tilespmem:$0x43A0] =	vst v63  }
0x1f: {  	v19 =	vld [tilespmem:$0x0];
	_ =	sdelay $0x2  }
0x20: {  	v0 =	vld [tilespmem:$0x1FFD0];
	_ =	sdelay $0x1  }
0x21: {  	v1 =	vld [tilespmem:$0x1FFE0];
	v20 =	vshll.u32 v19, $0x3  }
0x22: {  	v19 =	vand.u32 $0x7, v19;
	v20 =	vand.u32 $0xFFFFFFC0, v20  }
0x23: {  	v2 =	vld [tilespmem:$0x1FFF0];
	v19 =	vor.u32 v19, v20  }
0x24: {  	v20 =	vperm.xlane v19, v0;
	_ =	sdelay $0x1  }
0x25: {  	v20 =	vadd.s32 v1, v20;
	_ =	sdelay $0x1  }
0x26: {  	v19 =	vperm.xlane v19, v2;
	_ =	sdelay $0x1  }
0x27: {  	s17 =	simm.s32 $0x100;
	s16 =	rddreg [dreg:$0xb];
	v19 =	vadd.s32 v1, v19  }
0x28: {  	[tilespmem:s17], [sflag:$0x3] =	stream.indirect_vreg.gather [hbm4b:s16+s12], $0x80, v20, vm0, $0xb8;
	[tilespmem:$0x43A0] =	vst v63  }
0x29: {  	s19 =	simm.s32 $0x900;
	s18 =	rddreg [dreg:$0xf]  }
0x2a: {  	[tilespmem:s19], [sflag:$0x3] =	stream.indirect_vreg.gather [hbm4b:s18+s12], $0x80, v20, vm0, $0xb8;
	[tilespmem:$0x43A0] =	vst v63  }
0x2b: {  	s20 =	simm.s32 $0x1100  }
0x2c: {  	[tilespmem:s20], [sflag:$0x3] =	stream.indirect_vreg.gather [hbm4b:s16+s12], $0x80, v19, vm0, $0xb8;
	[tilespmem:$0x43A0] =	vst v63  }
0x2d: {  	s21 =	simm.s32 $0x1900  }
0x2e: {  	[tilespmem:s21], [sflag:$0x3] =	stream.indirect_vreg.gather [hbm4b:s18+s12], $0x80, v19, vm0, $0xb8;
	[tilespmem:$0x43A0] =	vst v63  }
0x2f: {  	v19 =	vld [tilespmem:$0x10];
	_ =	sdelay $0x4  }
0x30: {  	v20 =	vshll.u32 v19, $0x3  }
0x31: {  	v19 =	vand.u32 $0x7, v19;
	v20 =	vand.u32 $0xFFFFFFC0, v20  }
0x32: {  	v19 =	vor.u32 v19, v20  }
0x33: {  	v20 =	vperm.xlane v19, v0;
	_ =	sdelay $0x1  }
0x34: {  	v20 =	vadd.s32 v1, v20;
	_ =	sdelay $0x1  }
0x35: {  	v19 =	vperm.xlane v19, v2;
	_ =	sdelay $0x1  }
0x36: {  	s22 =	simm.s32 $0x2100;
	v19 =	vadd.s32 v1, v19  }
0x37: {  	[tilespmem:s22], [sflag:$0x3] =	stream.indirect_vreg.gather [hbm4b:s16+s12], $0x80, v20, vm0, $0xb8;
	[tilespmem:$0x43A0] =	vst v63  }
0x38: {  	s23 =	simm.s32 $0x2900  }
0x39: {  	[tilespmem:s23], [sflag:$0x3] =	stream.indirect_vreg.gather [hbm4b:s18+s12], $0x80, v20, vm0, $0xb8;
	[tilespmem:$0x43A0] =	vst v63  }
0x3a: {  	s24 =	simm.s32 $0x3100  }
0x3b: {  	[tilespmem:s24], [sflag:$0x3] =	stream.indirect_vreg.gather [hbm4b:s16+s12], $0x80, v19, vm0, $0xb8;
	[tilespmem:$0x43A0] =	vst v63  }
0x3c: {  	s25 =	simm.s32 $0x3900  }
0x3d: {  	[tilespmem:s25], [sflag:$0x3] =	stream.indirect_vreg.gather [hbm4b:s18+s12], $0x80, v19, vm0, $0xb8;
	[tilespmem:$0x43A0] =	vst v63  }
0x3e: {  	s26 =	rddreg [dreg:$0x8]  }
0x3f: {  	[tilespmem:s5], [sflag:$0x2] =	stream.linear.gather [hbm4b:s26+s12], $0x80, $0x38;
	[tilespmem:$0x43A0] =	vst v63  }
0x40: {  	_ =	swait.ge [sflag:s6], $0x20  }
0x41: {  	[sflag:s6] =	ssyncset.done $0x0  }
0x42: {  	[sflag:s6] =	ssyncadd.s32 $0xFFFFFFE0  }
0x43: {  	v19 =	vld [tilespmem:$0x80];
	_ =	sdelay $0x1  }
0x44: {  	v61 =	vimm.s32 $0x0  }
0x45: {  	v3 =	vimm.s32 $0x1;
	v4 =	vimm.s32 $0x2;
	v62 =	vimm.s32 $0x3  }
0x46: {  	v5 =	vimm.s32 $0x4;
	v6 =	vimm.s32 $0x5;
	v7 =	vimm.s32 $0x6  }
0x47: {  	v63 =	vimm.s32 $0x7;
	v8 =	vimm.s32 $0x8;
	v34 =	vmax.f32 v19, $0.0e+00  }
0x48: {  	v9 =	vimm.s32 $0x9;
	v19 =	vperm.xlane v34, v61;
	v20 =	vperm.xlane v34, v3  }
0x49: {  	v10 =	vimm.s32 $0xA;
	v21 =	vperm.xlane v34, v4;
	v22 =	vperm.xlane v34, v62  }
0x4a: {  	v11 =	vimm.s32 $0xB;
	v35 =	vld [tilespmem:$0x90];
	v23 =	vperm.xlane v34, v5;
	v24 =	vperm.xlane v34, v6  }
0x4b: {  	v12 =	vimm.s32 $0xC;
	v25 =	vperm.xlane v34, v7;
	v26 =	vperm.xlane v34, v63  }
0x4c: {  	v13 =	vimm.s32 $0xD;
	v27 =	vperm.xlane v34, v8;
	v28 =	vperm.xlane v34, v9  }
0x4d: {  	v14 =	vimm.s32 $0xE;
	v29 =	vperm.xlane v34, v10;
	v30 =	vperm.xlane v34, v11  }
0x4e: {  	v15 =	vimm.s32 $0xF;
	v31 =	vperm.xlane v34, v12;
	v32 =	vperm.xlane v34, v13  }
0x4f: {  	v50 =	vmax.f32 v35, $0.0e+00;
	v33 =	vperm.xlane v34, v14;
	v34 =	vperm.xlane v34, v15  }
0x50: {  	v35 =	vperm.xlane v50, v61;
	v36 =	vperm.xlane v50, v3  }
0x51: {  	v37 =	vperm.xlane v50, v4;
	v38 =	vperm.xlane v50, v62  }
0x52: {  	v39 =	vperm.xlane v50, v5;
	v40 =	vperm.xlane v50, v6  }
0x53: {  	v41 =	vperm.xlane v50, v7;
	v42 =	vperm.xlane v50, v63  }
0x54: {  	s28 =	simm.s32 $0x3;
	v43 =	vperm.xlane v50, v8;
	v44 =	vperm.xlane v50, v9  }
0x55: {  	_ =	swait.ge [sflag:s28], $0x4000;
	v45 =	vperm.xlane v50, v10;
	v46 =	vperm.xlane v50, v11  }
0x56: {  	s30 =	simm.s32 $0x4100;
	[sflag:s28] =	ssyncset.done $0x0;
	v47 =	vperm.xlane v50, v12;
	v48 =	vperm.xlane v50, v13  }
0x57: {  	s31 =	simm.s32 $0x0;
	s1 =	simm.s32 $0x0;
	[sflag:s28] =	ssyncadd.s32 $0xFFFFC000;
	v49 =	vperm.xlane v50, v14;
	v50 =	vperm.xlane v50, v15  }
.LBB2_2:
0x58: {  	s15 =	sand.u32 $0xC00, s31  }
0x59: {  	s13 =	sand.u32 $0x60, s1;
	s0 =	sor.u32 $0x100, s15  }
0x5a: {  	s2 =	sor.u32 s13, s0  }
0x5b: {  	v51 =	vld [tilespmem:s2+$0x0]  }
0x5c: {  	v52 =	vld [tilespmem:s2+$0x80]  }
0x5d: {  	v53 =	vld [tilespmem:s2+$0x100]  }
0x5e: {  	v54 =	vld [tilespmem:s2+$0x180]  }
0x5f: {  	v55 =	vld [tilespmem:s2+$0x200]  }
0x60: {  	v56 =	vld [tilespmem:s2+$0x280]  }
0x61: {  	s12 =	sor.u32 $0x1100, s15;
	v57 =	vld [tilespmem:s2+$0x300]  }
0x62: {  	s14 =	sor.u32 $0x1180, s15;
	s26 =	sor.u32 s13, s12;
	v58 =	vld [tilespmem:s2+$0x380]  }
0x63: {  	s16 =	sor.u32 $0x1200, s15;
	s28 =	sor.u32 s13, s14;
	v59 =	vld [tilespmem:s26+$0x0]  }
0x64: {  	s17 =	sor.u32 $0x1280, s15;
	s3 =	sor.u32 s13, s16;
	v60 =	vld [tilespmem:s28+$0x0]  }
0x65: {  	s18 =	sor.u32 $0x1300, s15;
	s4 =	sor.u32 s13, s17;
	v61 =	vld [tilespmem:s3+$0x0]  }
0x66: {  	s19 =	sor.u32 $0x1380, s15;
	s5 =	sor.u32 s13, s18;
	v62 =	vld [tilespmem:s4+$0x0]  }
0x67: {  	s20 =	sadd.s32 $0x1400, s15;
	s6 =	sor.u32 s13, s19;
	v63 =	vld [tilespmem:s5+$0x0]  }
0x68: {  	s21 =	sadd.s32 $0x1480, s15;
	s7 =	sor.u32 s13, s20;
	v1 =	vld [tilespmem:s6+$0x0]  }
0x69: {  	s22 =	sor.u32 $0x2100, s15;
	s8 =	sor.u32 s13, s21;
	v3 =	vld [tilespmem:s7+$0x0]  }
0x6a: {  	s9 =	sor.u32 s13, s22;
	v5 =	vld [tilespmem:s8+$0x0];
	s28 =	sor.u32 $0x2180, s15  }
0x6b: {  	v6 =	vld [tilespmem:s9+$0x0];
	s4 =	sor.u32 $0x2200, s15;
	s10 =	sor.u32 s13, s28  }
0x6c: {  	s2 =	sor.u32 $0x2280, s15;
	s5 =	sor.u32 s13, s4;
	v7 =	vld [tilespmem:s10+$0x0]  }
0x6d: {  	s8 =	sadd.s32 $0x2400, s15;
	s6 =	sor.u32 s13, s2;
	v8 =	vld [tilespmem:s5+$0x0];
	v51 =	vmul.f32 v51, v19;
	v52 =	vmul.f32 v52, v20  }
0x6e: {  	s9 =	sadd.s32 $0x2480, s15;
	s23 =	sor.u32 s13, s8;
	v9 =	vld [tilespmem:s6+$0x0];
	v53 =	vmul.f32 v53, v21;
	v54 =	vmul.f32 v54, v22  }
0x6f: {  	s24 =	sor.u32 s13, s9;
	s5 =	sor.u32 $0x2300, s15;
	v12 =	vld [tilespmem:s23+$0x0];
	v55 =	vmul.f32 v55, v23;
	v56 =	vmul.f32 v56, v24  }
0x70: {  	s6 =	sor.u32 $0x2380, s15;
	v13 =	vld [tilespmem:s24+$0x0];
	s7 =	sor.u32 s13, s5;
	v57 =	vmul.f32 v57, v25;
	v58 =	vmul.f32 v58, v26  }
0x71: {  	s10 =	sor.u32 $0x3100, s15;
	s11 =	sor.u32 s13, s6;
	v10 =	vld [tilespmem:s7+$0x0];
	v59 =	vmul.f32 v59, v27;
	v60 =	vmul.f32 v60, v28  }
0x72: {  	s23 =	sor.u32 $0x3180, s15;
	s25 =	sor.u32 s13, s10;
	v11 =	vld [tilespmem:s11+$0x0];
	v61 =	vmul.f32 v61, v29;
	v62 =	vmul.f32 v62, v30  }
0x73: {  	s26 =	sor.u32 s13, s23;
	v14 =	vld [tilespmem:s25+$0x0];
	s25 =	sor.u32 $0x3200, s15;
	v63 =	vmul.f32 v63, v31;
	v1 =	vmul.f32 v1, v32  }
0x74: {  	v15 =	vld [tilespmem:s26+$0x0];
	s26 =	sor.u32 $0x3280, s15;
	v3 =	vmul.f32 v3, v33;
	v5 =	vmul.f32 v5, v34;
	s3 =	sor.u32 s13, s25  }
0x75: {  	s24 =	sor.u32 $0x3300, s15;
	v6 =	vmul.f32 v6, v35;
	s11 =	sor.u32 s13, s26;
	v16 =	vld [tilespmem:s3+$0x0];
	v7 =	vmul.f32 v7, v36  }
0x76: {  	v17 =	vld [tilespmem:s11+$0x0];
	s3 =	sor.u32 s13, s24;
	s11 =	sor.u32 $0x3380, s15;
	v8 =	vmul.f32 v8, v37;
	v51 =	vadd.f32 v52, v51;
	v52 =	vadd.f32 v54, v53  }
0x77: {  	s7 =	sadd.s32 $0x3400, s15;
	v9 =	vmul.f32 v9, v38;
	v18 =	vld [tilespmem:s3+$0x0];
	s3 =	sor.u32 s13, s11;
	v53 =	vadd.f32 v56, v55;
	v54 =	vadd.f32 v58, v57  }
0x78: {  	s15 =	sadd.s32 $0x3480, s15;
	v12 =	vmul.f32 v12, v41;
	v55 =	vadd.f32 v60, v59;
	v56 =	vadd.f32 v62, v61;
	v0 =	vld [tilespmem:s3+$0x0];
	s3 =	sor.u32 s13, s7  }
0x79: {  	v13 =	vmul.f32 v13, v42;
	v1 =	vadd.f32 v1, v63;
	v3 =	vadd.f32 v5, v3;
	v4 =	vld [tilespmem:s3+$0x0];
	s3 =	sor.u32 s13, s15  }
0x7a: {  	v10 =	vmul.f32 v10, v39;
	v11 =	vmul.f32 v11, v40;
	v5 =	vadd.f32 v7, v6;
	v2 =	vld [tilespmem:s3+$0x0]  }
0x7b: {  	v14 =	vmul.f32 v14, v43;
	v6 =	vadd.f32 v9, v8;
	v58 =	vadd.f32 v13, v12  }
0x7c: {  	v15 =	vmul.f32 v15, v44;
	v61 =	vadd.f32 v52, v51;
	v62 =	vadd.f32 v54, v53  }
0x7d: {  	v63 =	vadd.f32 v56, v55;
	v16 =	vmul.f32 v16, v45;
	v17 =	vmul.f32 v17, v46  }
0x7e: {  	v1 =	vadd.f32 v3, v1;
	v18 =	vmul.f32 v18, v47;
	v0 =	vmul.f32 v0, v48  }
0x7f: {  	v57 =	vadd.f32 v11, v10;
	v4 =	vmul.f32 v4, v49;
	v2 =	vmul.f32 v2, v50  }
0x80: {  	v59 =	vadd.f32 v15, v14;
	v60 =	vadd.f32 v17, v16  }
0x81: {  	v0 =	vadd.f32 v0, v18;
	v2 =	vadd.f32 v2, v4  }
0x82: {  	v14 =	vadd.f32 v6, v5;
	v15 =	vadd.f32 v58, v57  }
0x83: {  	v51 =	vadd.f32 v60, v59;
	v0 =	vadd.f32 v2, v0  }
0x84: {  	v52 =	vadd.f32 v62, v61;
	v1 =	vadd.f32 v1, v63  }
0x85: {  	v3 =	vadd.f32 v15, v14;
	v0 =	vadd.f32 v0, v51;
	_ =	sdelay $0x1  }
0x86: {  	v1 =	vadd.f32 v1, v52;
	v0 =	vadd.f32 v0, v3;
	_ =	sdelay $0x1  }
0x87: {  	v0 =	vadd.f32 v0, v1  }
0x88: {  	s13 =	sor.u32 $0x10, s13  }
0x89: {  	s0 =	sor.u32 s13, s0;
	[tilespmem:s30+$0x0] =	vst v0  }
0x8a: {  	v0 =	vld [tilespmem:s0+$0x0]  }
0x8b: {  	v53 =	vld [tilespmem:s0+$0x80]  }
0x8c: {  	v54 =	vld [tilespmem:s0+$0x100]  }
0x8d: {  	v55 =	vld [tilespmem:s0+$0x180]  }
0x8e: {  	v4 =	vld [tilespmem:s0+$0x200]  }
0x8f: {  	v5 =	vld [tilespmem:s0+$0x280]  }
0x90: {  	v6 =	vld [tilespmem:s0+$0x300]  }
0x91: {  	s12 =	sor.u32 s13, s12;
	v56 =	vld [tilespmem:s0+$0x380]  }
0x92: {  	s14 =	sor.u32 s13, s14;
	v8 =	vld [tilespmem:s12+$0x0]  }
0x93: {  	s16 =	sor.u32 s13, s16;
	v57 =	vld [tilespmem:s14+$0x0]  }
0x94: {  	s17 =	sor.u32 s13, s17;
	v58 =	vld [tilespmem:s16+$0x0]  }
0x95: {  	s18 =	sor.u32 s13, s18;
	v59 =	vld [tilespmem:s17+$0x0]  }
0x96: {  	s19 =	sor.u32 s13, s19;
	v12 =	vld [tilespmem:s18+$0x0]  }
0x97: {  	s20 =	sor.u32 s13, s20;
	v60 =	vld [tilespmem:s19+$0x0]  }
0x98: {  	s21 =	sor.u32 s13, s21;
	v61 =	vld [tilespmem:s20+$0x0]  }
0x99: {  	s22 =	sor.u32 s13, s22;
	v62 =	vld [tilespmem:s21+$0x0]  }
0x9a: {  	s3 =	sor.u32 s13, s28;
	v16 =	vld [tilespmem:s22+$0x0]  }
0x9b: {  	s4 =	sor.u32 s13, s4;
	v17 =	vld [tilespmem:s3+$0x0]  }
0x9c: {  	v18 =	vld [tilespmem:s4+$0x0];
	s12 =	sor.u32 s13, s2;
	v0 =	vmul.f32 v0, v19  }
0x9d: {  	s14 =	sor.u32 s13, s5;
	v63 =	vld [tilespmem:s12+$0x0];
	v1 =	vmul.f32 v53, v20;
	v2 =	vmul.f32 v54, v21  }
0x9e: {  	s16 =	sor.u32 s13, s6;
	v52 =	vld [tilespmem:s14+$0x0];
	v3 =	vmul.f32 v55, v22;
	v4 =	vmul.f32 v4, v23  }
0x9f: {  	s17 =	sor.u32 s13, s8;
	v5 =	vmul.f32 v5, v24;
	v53 =	vld [tilespmem:s16+$0x0];
	v6 =	vmul.f32 v6, v25  }
0xa0: {  	s18 =	sor.u32 s13, s9;
	v7 =	vmul.f32 v56, v26;
	v54 =	vld [tilespmem:s17+$0x0];
	v8 =	vmul.f32 v8, v27  }
0xa1: {  	s19 =	sor.u32 s13, s10;
	v9 =	vmul.f32 v57, v28;
	v55 =	vld [tilespmem:s18+$0x0];
	v10 =	vmul.f32 v58, v29  }
0xa2: {  	s20 =	sor.u32 s13, s23;
	v11 =	vmul.f32 v59, v30;
	v56 =	vld [tilespmem:s19+$0x0];
	v12 =	vmul.f32 v12, v31  }
0xa3: {  	s21 =	sor.u32 s13, s25;
	v13 =	vmul.f32 v60, v32;
	v57 =	vld [tilespmem:s20+$0x0];
	v14 =	vmul.f32 v61, v33  }
0xa4: {  	s22 =	sor.u32 s13, s26;
	v15 =	vmul.f32 v62, v34;
	v58 =	vld [tilespmem:s21+$0x0];
	v16 =	vmul.f32 v16, v35  }
0xa5: {  	s23 =	sor.u32 s13, s24;
	v17 =	vmul.f32 v17, v36;
	v59 =	vld [tilespmem:s22+$0x0];
	v18 =	vmul.f32 v18, v37  }
0xa6: {  	s24 =	sor.u32 s13, s11;
	v60 =	vld [tilespmem:s23+$0x0];
	v51 =	vmul.f32 v63, v38;
	v0 =	vadd.f32 v1, v0;
	v1 =	vadd.f32 v3, v2  }
0xa7: {  	s25 =	sor.u32 s13, s7;
	v61 =	vld [tilespmem:s24+$0x0];
	v52 =	vmul.f32 v52, v39;
	v3 =	vadd.f32 v5, v4;
	v4 =	vadd.f32 v7, v6  }
0xa8: {  	v62 =	vld [tilespmem:s25+$0x0];
	v6 =	vadd.f32 v9, v8;
	v53 =	vmul.f32 v53, v40;
	v54 =	vmul.f32 v54, v41  }
0xa9: {  	s26 =	sor.u32 s13, s15;
	v7 =	vadd.f32 v11, v10;
	v55 =	vmul.f32 v55, v42;
	v56 =	vmul.f32 v56, v43  }
0xaa: {  	v63 =	vld [tilespmem:s26+$0x0];
	v9 =	vadd.f32 v13, v12;
	v57 =	vmul.f32 v57, v44;
	v58 =	vmul.f32 v58, v45  }
0xab: {  	v0 =	vadd.f32 v1, v0;
	v2 =	vmul.f32 v59, v46;
	v5 =	vmul.f32 v60, v47  }
0xac: {  	v8 =	vmul.f32 v61, v48;
	v59 =	vadd.f32 v15, v14;
	v61 =	vadd.f32 v17, v16  }
0xad: {  	v60 =	vmul.f32 v62, v49;
	v62 =	vadd.f32 v51, v18;
	v53 =	vadd.f32 v53, v52  }
0xae: {  	v16 =	vadd.f32 v55, v54;
	v17 =	vadd.f32 v57, v56  }
0xaf: {  	v51 =	vmul.f32 v63, v50;
	v2 =	vadd.f32 v2, v58;
	v5 =	vadd.f32 v8, v5  }
0xb0: {  	v56 =	vadd.f32 v4, v3;
	v57 =	vadd.f32 v7, v6  }
0xb1: {  	v58 =	vadd.f32 v59, v9;
	v55 =	vadd.f32 v51, v60  }
0xb2: {  	v59 =	vadd.f32 v62, v61;
	v60 =	vadd.f32 v16, v53  }
0xb3: {  	v2 =	vadd.f32 v2, v17;
	v5 =	vadd.f32 v55, v5  }
0xb4: {  	v0 =	vadd.f32 v56, v0;
	v61 =	vadd.f32 v58, v57  }
0xb5: {  	v62 =	vadd.f32 v60, v59;
	v2 =	vadd.f32 v5, v2  }
0xb6: {  	p1 =	sne.s32 s1, $0x1E0  }
.Ltmp0:
0xb7: {  	v0 =	vadd.f32 v61, v0;
	v63 =	vadd.f32 v2, v62;
	(pc) =	sbr.rel @p1 .LBB2_2-.Ltmp0, $4  }
0xb8: {  	_ = 	snop  }
0xb9: {  	s28 =	sand.u32 $0x180, s1;
	v0 =	vadd.f32 v63, v0  }
0xba: {  	s0 =	sor.u32 s13, s28  }
0xbb: {  	s31 =	sadd.s32 $0x100, s31;
	s1 =	sadd.s32 $0x20, s1;
	s30 =	sadd.s32 $0x20, s30;
	[tilespmem:s0+$0x4100] =	vst v0  }
0xbc: {  	[bflag:$0x0] =	sbarrier.arrive $0xFFFF;
	s0 =	simm.s32 $0x2  }
0xbd: {  	_ =	swait.ge [sflag:s0], $0x80  }
0xbe: {  	[sflag:s0] =	ssyncset.done $0x0  }
0xbf: {  	s5 =	simm.s32 $0x4300;
	s6 =	simm.s32 $0x1;
	[sflag:s0] =	ssyncadd.s32 $0xFFFFFF80  }
0xc0: {  	s30 =	simm.s32 $0x4100;
	s4 =	simm.s32 $0x5;
	s1 =	rddreg [dreg:$0x6]  }
0xc1: {  	[spmem:s1] =	stream.indirect.scatter.add.f32 [tilespmem:s30], [sflag:$0x5], $0x200, s5, s6, $0xb8;
	[tilespmem:$0x43A0] =	vst v63  }
0xc2: {  	_ =	swait.ge [sflag:s4], $0x200  }
0xc3: {  	[sflag:s4] =	ssyncset.done $0x0  }
0xc4: {  	[sflag:s4] =	ssyncadd.s32 $0xFFFFFE00  }
0xc5: {  	s0 =	simm.s32 @!p0 $0x4100;
	[bflag:$0x0] =	sbarrier.arrive $0xFFFF  }
0xc6: {  	[tilespmem:s0], [sflag:$0x5] =	stream.linear.gather @!p0 [spmem:s1], $0x200, $0x38;
	[tilespmem:$0x43A0] =	vst v63  }
0xc7: {  	s1 =	simm.s32 @!p0 $0x5  }
0xc8: {  	_ =	swait.ge @!p0 [sflag:s1], $0x200  }
0xc9: {  	[sflag:s1] =	ssyncset.done @!p0 $0x0  }
0xca: {  	s2 =	simm.s32 @!p0 $0x0;
	s3 =	rddreg [dreg:$0xc];
	[sflag:s1] =	ssyncadd.s32 @!p0 $0xFFFFFE00  }
0xcb: {  	[hbm4b:s3+s2] =	stream.linear.scatter @!p0 [tilespmem:s0], [sflag:$0x5], $0x200, $0x38;
	[tilespmem:$0x43A0] =	vst v63  }
0xcc: {  	_ =	swait.ge @!p0 [sflag:s1], $0x200  }
0xcd: {  	s29 =	sadd.s32 $0x1, s29;
	s31 =	rddreg [dreg:$0xd]  }
0xce: {  	p1 =	sne.s32 s29, s31  }
.Ltmp1:
0xcf: {  	_ = 	snop;
	(pc) =	sbr.rel @p1 .LBB2_1-.Ltmp1, $3  }
0xd0: {  	_ =	sdelay $0x1  }
0xd1: {  	[sflag:s1] =	ssyncset.done @!p0 $0x0  }
0xd2: {  	[sflag:s1] =	ssyncadd.s32 @!p0 $0xFFFFFE00  }
0xd3: {  	_ =	sfence.sel $0x180000  }
0xd4: {  	[bflag:$0x0] =	sbarrier.arrive $0xFFFF  }
0xd5: {  	_ =	strace $0x90000047  }
0xd6: {  	[bflag:$0x2] =	sbarrier.arrive $0xFFFF  }
0xd7: {  	s0 =	rddreg [dreg:$0x7]  }
0xd8: {  	s0 =	sadd.s32 @!p0 $0x100000, s0  }
0xd9: {  	[sflag:s0] =	ssyncadd.tile.s32 @!p0 $0x1;
	_ =	shalt  }
.Lfunc_end2:
_tile_overlayer_lowered:
.L_overlay_start_2:
0xda: {  	(tag) =	ssettag $0x2  }
0xdb: {  	s0 =	rddreg [dreg:$0x0];
	s2 =	stileid.u32  }
0xdc: {  	s1 =	rddreg [dreg:$0x1];
	p0 =	sne.s32 s2, $0x0  }
0xdd: {  	s3 =	rddreg [dreg:$0x2];
	[bflag:$0x3] =	sbarrier.arrive $0xFFFF;
	s2 =	simm.s32 @!p0 $0x1C05  }
0xde: {  	[timem:s3], [sflag:s2] =	dma.local @!p0 [hbm:s0], s1  }
0xdf: {  	s0 =	simm.s32 @!p0 $0x5  }
0xe0: {  	_ =	swait.ge @!p0 [sflag:s0], s1  }
0xe1: {  	s1 =	ssub.s32 @!p0 $0x0, s1;
	[sflag:s0] =	ssyncset.done @!p0 $0x0  }
0xe2: {  	[sflag:s0] =	ssyncadd.s32 @!p0 s1  }
0xe3: {  	[bflag:$0x3] =	sbarrier.arrive $0xFFFF  }
0xe4: {  	_ =	shalt  }

</sc_bundles>
